<compile_context>
chip_gen: v7x
topology: tpu7x:2x2x1
jax: 0.10.2.dev20260603
libtpu: 0.0.44.dev20260713+nightly
codegen_flags: <defaults>
</compile_context>

<pallas_src>
import functools

import jax
import jax.numpy as jnp
from jax import lax
from jax.experimental import pallas as pl
from jax.experimental.pallas import tpu as pltpu
from jax.experimental.pallas import tpu_sc as plsc

U_ROWS = 1024
DIM = 16
N_TAGS = 100000
TOP_K = 20
BLK = 2048
N_BLK = 49
N_TAGS_PAD = N_BLK * BLK
SUB = 16
N_BINS = N_BLK * 128
N_CAND = TOP_K * SUB
ROWG = 16
NEG = float("-inf")
IBIG = 2 ** 30

N_CHUNKS = N_TAGS_PAD * DIM // 128
_NW = 32
_B_GATHER = U_ROWS * TOP_K * 2
_B_PER_W = _B_GATHER // _NW
_CHUNK = 640


def _t1_body(u_ref, t_ref, m_ref, a_ref, l2v_ref, l2a_ref):
    j = pl.program_id(0)
    u = u_ref[...]
    t = t_ref[...]
    s = lax.dot_general(u, t, (((1,), (0,)), ((), ())))
    lane = jax.lax.broadcasted_iota(jnp.int32, (U_ROWS, 128), 1)
    best_v = s[:, 0:128]
    best_s = jnp.zeros(best_v.shape, jnp.int32)
    for k in range(1, SUB):
        chunk = s[:, k * 128:(k + 1) * 128]
        gt = chunk > best_v
        best_v = jnp.where(gt, chunk, best_v)
        best_s = jnp.where(gt, jnp.int32(k), best_s)
    limit = (N_TAGS - j * BLK) // SUB
    best_v = jnp.where(lane < limit, best_v, NEG)
    gidx = j * BLK + SUB * lane + best_s
    m_ref[...] = best_v
    a_ref[...] = gidx

    @pl.when(j == 0)
    def _():
        l2v_ref[...] = best_v
        l2a_ref[...] = gidx

    @pl.when(j > 0)
    def _():
        pv = l2v_ref[...]
        pa = l2a_ref[...]
        take = best_v > pv
        l2v_ref[...] = jnp.where(take, best_v, pv)
        l2a_ref[...] = jnp.where(take, gidx, pa)


def _topk_lex_body(v_ref, a_ref, o_ref, *, rounds, mask_oob):
    v = v_ref[...]
    a = a_ref[...]
    if mask_oob:
        v = jnp.where(a >= N_TAGS, NEG, v)
    reps = []
    for _ in range(rounds):
        m = jnp.max(v, axis=1, keepdims=True)
        sel = v == m
        amin = jnp.min(jnp.where(sel, a, IBIG), axis=1, keepdims=True)
        reps.append(amin)
        v = jnp.where(sel & (a == amin), NEG, v)
    o_ref[...] = jnp.concatenate(reps, axis=1)


def _rescore_body(u_ref, g_ref, o_ref):
    u = u_ref[...]
    g = g_ref[...]
    s = lax.dot_general(u, g, (((1,), (1,)), ((), ())))
    rows = []
    for i in range(ROWG):
        rows.append(s[i:i + 1, i * N_CAND:(i + 1) * N_CAND])
    o_ref[...] = jnp.concatenate(rows, axis=0)


def _sc_gather_build():
    mesh = plsc.VectorSubcoreMesh(core_axis_name="c", subcore_axis_name="s")
    nc = 2

    @functools.partial(
        pl.kernel, mesh=mesh,
        out_type=jax.ShapeDtypeStruct((_B_GATHER, 128), jnp.float32),
        scratch_types=[
            pltpu.VMEM((_B_PER_W,), jnp.int32),
            pltpu.VMEM((_CHUNK, 128), jnp.float32),
            pltpu.SemaphoreType.DMA,
        ],
    )
    def gather_k(table_hbm, idx_hbm, out_hbm, idx_v, rows_v, sem):
        wid = lax.axis_index("s") * nc + lax.axis_index("c")
        base = wid * _B_PER_W
        pltpu.sync_copy(idx_hbm.at[pl.ds(base, _B_PER_W)], idx_v)
        for ch in range(_B_PER_W // _CHUNK):
            off = ch * _CHUNK
            pltpu.async_copy(
                table_hbm.at[idx_v.at[pl.ds(off, _CHUNK)]], rows_v, sem
            ).wait()
            pltpu.sync_copy(rows_v, out_hbm.at[pl.ds(base + off, _CHUNK)])

    return gather_k


def _topk_lex_call(vals, idxs, rounds, mask_oob, row_blk):
    n = vals.shape[1]
    return pl.pallas_call(
        functools.partial(_topk_lex_body, rounds=rounds, mask_oob=mask_oob),
        grid=(U_ROWS // row_blk,),
        in_specs=[
            pl.BlockSpec((row_blk, n), lambda i: (i, 0)),
            pl.BlockSpec((row_blk, n), lambda i: (i, 0)),
        ],
        out_specs=pl.BlockSpec((row_blk, rounds), lambda i: (i, 0)),
        out_shape=jax.ShapeDtypeStruct((U_ROWS, rounds), jnp.int32),
    )(vals, idxs)


def kernel(user_embs_raw, tags_embedding_table):
    tags_pad = jnp.pad(tags_embedding_table,
                       ((0, N_TAGS_PAD - N_TAGS), (0, 0)))
    tags_t = (tags_pad.reshape(N_BLK, 128, SUB, DIM)
              .transpose(3, 0, 2, 1).reshape(DIM, N_TAGS_PAD))

    bin_max, bin_arg, l2v, l2a = pl.pallas_call(
        _t1_body,
        grid=(N_BLK,),
        in_specs=[
            pl.BlockSpec((U_ROWS, DIM), lambda j: (0, 0)),
            pl.BlockSpec((DIM, BLK), lambda j: (0, j)),
        ],
        out_specs=[
            pl.BlockSpec((U_ROWS, 128), lambda j: (0, j)),
            pl.BlockSpec((U_ROWS, 128), lambda j: (0, j)),
            pl.BlockSpec((U_ROWS, 128), lambda j: (0, 0)),
            pl.BlockSpec((U_ROWS, 128), lambda j: (0, 0)),
        ],
        out_shape=[
            jax.ShapeDtypeStruct((U_ROWS, N_BINS), jnp.float32),
            jax.ShapeDtypeStruct((U_ROWS, N_BINS), jnp.int32),
            jax.ShapeDtypeStruct((U_ROWS, 128), jnp.float32),
            jax.ShapeDtypeStruct((U_ROWS, 128), jnp.int32),
        ],
    )(user_embs_raw, tags_t)

    g_reps = _topk_lex_call(l2v, l2a, TOP_K, False, 256)
    g_lane = (g_reps % BLK) // SUB

    m3 = bin_max.reshape(U_ROWS, N_BLK, 128)
    a3 = bin_arg.reshape(U_ROWS, N_BLK, 128)
    sel = g_lane[:, None, :]
    cand_v = jnp.take_along_axis(m3, sel, axis=2).reshape(U_ROWS, N_BLK * TOP_K)
    cand_a = jnp.take_along_axis(a3, sel, axis=2).reshape(U_ROWS, N_BLK * TOP_K)

    reps = _topk_lex_call(cand_v, cand_a, TOP_K, False, 256)

    binid = reps // SUB
    chunk_ids = (2 * binid[:, :, None]
                 + jnp.arange(2, dtype=jnp.int32)[None, None, :])
    chunk_ids = jnp.minimum(chunk_ids.reshape(_B_GATHER), N_CHUNKS - 1)
    cand_idx = (SUB * binid[:, :, None]
                + jnp.arange(SUB, dtype=jnp.int32)[None, None, :])
    cand_idx = cand_idx.reshape(U_ROWS, N_CAND)

    gathered = _sc_gather_build()(
        tags_pad.reshape(N_CHUNKS, 128), chunk_ids)

    cand_val = pl.pallas_call(
        _rescore_body,
        grid=(U_ROWS // ROWG,),
        in_specs=[
            pl.BlockSpec((ROWG, DIM), lambda i: (i, 0)),
            pl.BlockSpec((ROWG * N_CAND, DIM), lambda i: (i, 0)),
        ],
        out_specs=pl.BlockSpec((ROWG, N_CAND), lambda i: (i, 0)),
        out_shape=jax.ShapeDtypeStruct((U_ROWS, N_CAND), jnp.float32),
    )(user_embs_raw, gathered.reshape(U_ROWS * N_CAND, DIM))

    out = _topk_lex_call(cand_val, cand_idx, TOP_K, True, 1024)
    return out.astype(jnp.int32)

# --- scband reference (transcript-rebuilt; emitter-appended) ---
"""Pipeline reference for scband-predict-tags-layer-17875653886244 (READ-ONLY COPY).

The authoritative reference and input builder live on the scoring server;
editing this copy changes nothing except your own understanding.
"""

import jax, jax.numpy as jnp
import numpy as np


def setup_inputs(seed: int = 0) -> dict:
    key = jax.random.key(seed)
    k1, k2 = jax.random.split(key)
    user_embs_raw = jax.random.normal(k1, (1024, 16), dtype=jnp.float32)
    tags_embedding_table = jax.random.normal(k2, (100000, 16), dtype=jnp.float32)
    return {"user_embs_raw": user_embs_raw, "tags_embedding_table": tags_embedding_table}


def reference(user_embs_raw, tags_embedding_table):
    top_k = 20
    # Original: tile user embs over tags, tile tags over users, elementwise
    # multiply and reduce-sum along the feature dim. Mathematically this is
    # the dense score matrix users @ tags^T.
    score_matrix = jnp.einsum('ud,td->ut', user_embs_raw, tags_embedding_table)
    # argsort descending, take top_k indices (tf.argsort DESCENDING + slice)
    _, tag_idx_matrix = jax.lax.top_k(score_matrix, top_k)
    return tag_idx_matrix.astype(jnp.int32)

if __name__ == "__main__":
    import jax
    _d = setup_inputs()
    print(jax.jit(kernel)(*tuple(_d.values())))

</pallas_src>

<mosaic_0001>
#map = affine_map<(d0, d1) -> (0, 0)>
#map1 = affine_map<(d0, d1) -> (0)>
module attributes {stable_mosaic.version = 14 : i64} {
  func.func @gather_k(%arg0: i32, %arg1: i32, %arg2: memref<12544x128xf32, #tpu.memory_space<hbm>>, %arg3: memref<40960xi32, #tpu.memory_space<hbm>>, %arg4: memref<40960x128xf32, #tpu.memory_space<hbm>>, %arg5: memref<1280xi32, #tpu.memory_space<vmem>>, %arg6: memref<640x128xf32, #tpu.memory_space<vmem>>, %arg7: memref<!tpu.dma_semaphore, #tpu.memory_space<semaphore_mem>>) attributes {dimension_semantics = [#tpu.dimension_semantics<core_parallel>, #tpu.dimension_semantics<subcore_parallel>], iteration_bounds = array<i64: 2, 16>, scalar_prefetch = 0 : i64, scratch_operands = 3 : i64, tpu.core_type = #tpu.core_type<sc_vector_subcore>, window_params = [{transform_indices = #map}, {transform_indices = #map1}, {transform_indices = #map}]} {
    %mul3A = arith.constant 2 : i32
    %mul3A_0 = arith.muli %arg1, %mul3A : i32
    %add3A = arith.addi %mul3A_0, %arg0 : i32
    %mul3A_1 = arith.constant 1280 : i32
    %mul3A_2 = arith.muli %add3A, %mul3A_1 : i32
    "tpu.region"() ({
      %run_scoped3A = tpu.sem_alloc : memref<!tpu.dma_semaphore, #tpu.memory_space<semaphore_mem>>
      %dma_start3A_25 = tpu.memref_slice %arg3[%mul3A_2] : memref<40960xi32, #tpu.memory_space<hbm>> -> memref<1280xi32, #tpu.memory_space<hbm>>
      %dma_start3A_26 = tpu.memref_slice %arg3[%mul3A_2] : memref<40960xi32, #tpu.memory_space<hbm>> -> memref<1280xi32, #tpu.memory_space<hbm>>
      tpu.enqueue_dma source(%dma_start3A_26 : memref<1280xi32, #tpu.memory_space<hbm>>) target(%arg5 : memref<1280xi32, #tpu.memory_space<vmem>>) target_semaphore(%run_scoped3A : memref<!tpu.dma_semaphore, #tpu.memory_space<semaphore_mem>>)
      %dma_wait3A_27 = tpu.memref_slice %arg3[%mul3A_2] : memref<40960xi32, #tpu.memory_space<hbm>> -> memref<1280xi32, #tpu.memory_space<hbm>>
      %dma_wait3A_28 = tpu.memref_slice %arg3[%mul3A_2] : memref<40960xi32, #tpu.memory_space<hbm>> -> memref<1280xi32, #tpu.memory_space<hbm>>
      tpu.wait_dma2 semaphore(%run_scoped3A : memref<!tpu.dma_semaphore, #tpu.memory_space<semaphore_mem>>) src(%dma_wait3A_28 : memref<1280xi32, #tpu.memory_space<hbm>>) dst(%arg5 : memref<1280xi32, #tpu.memory_space<vmem>>)
      tpu.yield
    }) : () -> ()
    %dma_start3A = arith.constant 0 : i32
    %dma_start3A_3 = tpu.memref_slice %arg5[%dma_start3A] : memref<1280xi32, #tpu.memory_space<vmem>> -> memref<640xi32, #tpu.memory_space<vmem>>
    %dma_start3A_4 = arith.constant 0 : i32
    %dma_start3A_5 = arith.constant 0 : i32
    %dma_start3A_6 = tpu.memref_slice %arg2[%dma_start3A_4, %dma_start3A_5] : memref<12544x128xf32, #tpu.memory_space<hbm>> -> memref<12544x128xf32, #tpu.memory_space<hbm>>
    tpu.enqueue_indirect_dma source(%dma_start3A_6 : memref<12544x128xf32, #tpu.memory_space<hbm>>) target(%arg6 : memref<640x128xf32, #tpu.memory_space<vmem>>) offsets(%dma_start3A_3 : memref<640xi32, #tpu.memory_space<vmem>>) semaphore(%arg7 : memref<!tpu.dma_semaphore, #tpu.memory_space<semaphore_mem>>)
    %dma_wait3A = arith.constant 0 : i32
    %dma_wait3A_7 = tpu.memref_slice %arg5[%dma_wait3A] : memref<1280xi32, #tpu.memory_space<vmem>> -> memref<640xi32, #tpu.memory_space<vmem>>
    %dma_wait3A_8 = arith.constant 0 : i32
    %dma_wait3A_9 = arith.constant 0 : i32
    %dma_wait3A_10 = tpu.memref_slice %arg2[%dma_wait3A_8, %dma_wait3A_9] : memref<12544x128xf32, #tpu.memory_space<hbm>> -> memref<12544x128xf32, #tpu.memory_space<hbm>>
    tpu.wait_indirect_dma semaphore(%arg7 : memref<!tpu.dma_semaphore, #tpu.memory_space<semaphore_mem>>) src(%dma_wait3A_10 : memref<12544x128xf32, #tpu.memory_space<hbm>>) dst(%arg6 : memref<640x128xf32, #tpu.memory_space<vmem>>)
    %add3A_11 = arith.constant 0 : i32
    %add3A_12 = arith.addi %mul3A_2, %add3A_11 : i32
    "tpu.region"() ({
      %run_scoped3A = tpu.sem_alloc : memref<!tpu.dma_semaphore, #tpu.memory_space<semaphore_mem>>
      %dma_start3A_25 = arith.constant 0 : i32
      %dma_start3A_26 = tpu.memref_slice %arg4[%add3A_12, %dma_start3A_25] : memref<40960x128xf32, #tpu.memory_space<hbm>> -> memref<640x128xf32, #tpu.memory_space<hbm>>
      %dma_start3A_27 = arith.constant 0 : i32
      %dma_start3A_28 = tpu.memref_slice %arg4[%add3A_12, %dma_start3A_27] : memref<40960x128xf32, #tpu.memory_space<hbm>> -> memref<640x128xf32, #tpu.memory_space<hbm>>
      tpu.enqueue_dma source(%arg6 : memref<640x128xf32, #tpu.memory_space<vmem>>) target(%dma_start3A_28 : memref<640x128xf32, #tpu.memory_space<hbm>>) target_semaphore(%run_scoped3A : memref<!tpu.dma_semaphore, #tpu.memory_space<semaphore_mem>>)
      %dma_wait3A_29 = arith.constant 0 : i32
      %dma_wait3A_30 = tpu.memref_slice %arg4[%add3A_12, %dma_wait3A_29] : memref<40960x128xf32, #tpu.memory_space<hbm>> -> memref<640x128xf32, #tpu.memory_space<hbm>>
      %dma_wait3A_31 = arith.constant 0 : i32
      %dma_wait3A_32 = tpu.memref_slice %arg4[%add3A_12, %dma_wait3A_31] : memref<40960x128xf32, #tpu.memory_space<hbm>> -> memref<640x128xf32, #tpu.memory_space<hbm>>
      tpu.wait_dma2 semaphore(%run_scoped3A : memref<!tpu.dma_semaphore, #tpu.memory_space<semaphore_mem>>) src(%arg6 : memref<640x128xf32, #tpu.memory_space<vmem>>) dst(%dma_wait3A_32 : memref<640x128xf32, #tpu.memory_space<hbm>>)
      tpu.yield
    }) : () -> ()
    %dma_start3A_13 = arith.constant 640 : i32
    %dma_start3A_14 = tpu.memref_slice %arg5[%dma_start3A_13] : memref<1280xi32, #tpu.memory_space<vmem>> -> memref<640xi32, #tpu.memory_space<vmem>>
    %dma_start3A_15 = arith.constant 0 : i32
    %dma_start3A_16 = arith.constant 0 : i32
    %dma_start3A_17 = tpu.memref_slice %arg2[%dma_start3A_15, %dma_start3A_16] : memref<12544x128xf32, #tpu.memory_space<hbm>> -> memref<12544x128xf32, #tpu.memory_space<hbm>>
    tpu.enqueue_indirect_dma source(%dma_start3A_17 : memref<12544x128xf32, #tpu.memory_space<hbm>>) target(%arg6 : memref<640x128xf32, #tpu.memory_space<vmem>>) offsets(%dma_start3A_14 : memref<640xi32, #tpu.memory_space<vmem>>) semaphore(%arg7 : memref<!tpu.dma_semaphore, #tpu.memory_space<semaphore_mem>>)
    %dma_wait3A_18 = arith.constant 640 : i32
    %dma_wait3A_19 = tpu.memref_slice %arg5[%dma_wait3A_18] : memref<1280xi32, #tpu.memory_space<vmem>> -> memref<640xi32, #tpu.memory_space<vmem>>
    %dma_wait3A_20 = arith.constant 0 : i32
    %dma_wait3A_21 = arith.constant 0 : i32
    %dma_wait3A_22 = tpu.memref_slice %arg2[%dma_wait3A_20, %dma_wait3A_21] : memref<12544x128xf32, #tpu.memory_space<hbm>> -> memref<12544x128xf32, #tpu.memory_space<hbm>>
    tpu.wait_indirect_dma semaphore(%arg7 : memref<!tpu.dma_semaphore, #tpu.memory_space<semaphore_mem>>) src(%dma_wait3A_22 : memref<12544x128xf32, #tpu.memory_space<hbm>>) dst(%arg6 : memref<640x128xf32, #tpu.memory_space<vmem>>)
    %add3A_23 = arith.constant 640 : i32
    %add3A_24 = arith.addi %mul3A_2, %add3A_23 : i32
    "tpu.region"() ({
      %run_scoped3A = tpu.sem_alloc : memref<!tpu.dma_semaphore, #tpu.memory_space<semaphore_mem>>
      %dma_start3A_25 = arith.constant 0 : i32
      %dma_start3A_26 = tpu.memref_slice %arg4[%add3A_24, %dma_start3A_25] : memref<40960x128xf32, #tpu.memory_space<hbm>> -> memref<640x128xf32, #tpu.memory_space<hbm>>
      %dma_start3A_27 = arith.constant 0 : i32
      %dma_start3A_28 = tpu.memref_slice %arg4[%add3A_24, %dma_start3A_27] : memref<40960x128xf32, #tpu.memory_space<hbm>> -> memref<640x128xf32, #tpu.memory_space<hbm>>
      tpu.enqueue_dma source(%arg6 : memref<640x128xf32, #tpu.memory_space<vmem>>) target(%dma_start3A_28 : memref<640x128xf32, #tpu.memory_space<hbm>>) target_semaphore(%run_scoped3A : memref<!tpu.dma_semaphore, #tpu.memory_space<semaphore_mem>>)
      %dma_wait3A_29 = arith.constant 0 : i32
      %dma_wait3A_30 = tpu.memref_slice %arg4[%add3A_24, %dma_wait3A_29] : memref<40960x128xf32, #tpu.memory_space<hbm>> -> memref<640x128xf32, #tpu.memory_space<hbm>>
      %dma_wait3A_31 = arith.constant 0 : i32
      %dma_wait3A_32 = tpu.memref_slice %arg4[%add3A_24, %dma_wait3A_31] : memref<40960x128xf32, #tpu.memory_space<hbm>> -> memref<640x128xf32, #tpu.memory_space<hbm>>
      tpu.wait_dma2 semaphore(%run_scoped3A : memref<!tpu.dma_semaphore, #tpu.memory_space<semaphore_mem>>) src(%arg6 : memref<640x128xf32, #tpu.memory_space<vmem>>) dst(%dma_wait3A_32 : memref<640x128xf32, #tpu.memory_space<hbm>>)
      tpu.yield
    }) : () -> ()
    return
  }
}

module attributes {stable_mosaic.version = 14 : i64} {
  func.func @_t1_body(%arg0: i32, %arg1: memref<1024x16xf32, #tpu.memory_space<vmem>>, %arg2: memref<16x2048xf32, #tpu.memory_space<vmem>>, %arg3: memref<1024x128xf32, #tpu.memory_space<vmem>>, %arg4: memref<1024x128xi32, #tpu.memory_space<vmem>>, %arg5: memref<1024x128xf32, #tpu.memory_space<vmem>>, %arg6: memref<1024x128xi32, #tpu.memory_space<vmem>>) attributes {dimension_semantics = [#tpu.dimension_semantics<arbitrary>], iteration_bounds = array<i64: 49>, scalar_prefetch = 0 : i64, scratch_operands = 0 : i64, tpu.core_type = #tpu.core_type<tc>, window_params = [{pipeline_mode = #tpu.pipeline_mode<synchronous>, transform_indices = @transform_0, window_bounds = array<i64: 1024, 16>}, {transform_indices = @transform_1, window_bounds = array<i64: 16, 2048>}, {transform_indices = @transform_2, window_bounds = array<i64: 1024, 128>}, {transform_indices = @transform_3, window_bounds = array<i64: 1024, 128>}, {pipeline_mode = #tpu.pipeline_mode<synchronous>, transform_indices = @transform_4, window_bounds = array<i64: 1024, 128>}, {pipeline_mode = #tpu.pipeline_mode<synchronous>, transform_indices = @transform_5, window_bounds = array<i64: 1024, 128>}]} {
    %get3A = arith.constant 0 : index
    %get3A_0 = arith.constant 0 : index
    %get3A_1 = vector.load %arg1[%get3A, %get3A_0] : memref<1024x16xf32, #tpu.memory_space<vmem>>, vector<1024x16xf32>
    %get3A_2 = arith.constant 0 : index
    %get3A_3 = arith.constant 0 : index
    %get3A_4 = vector.load %arg2[%get3A_2, %get3A_3] : memref<16x2048xf32, #tpu.memory_space<vmem>>, vector<16x2048xf32>
    %dot_general3A = arith.constant dense<0.000000e+00> : vector<1024x2048xf32>
    %dot_general3A_5 = tpu.matmul %get3A_1, %get3A_4, %dot_general3A {dimension_numbers = #tpu.dot_dimension_numbers<[1], [0], [0], [1], [0, 0, 1, 1], [], []>, transpose_lhs_hint = false} : vector<1024x16xf32>, vector<16x2048xf32>, vector<1024x2048xf32> -> vector<1024x2048xf32>
    %iota3A = tpu.iota {dimensions = array<i32: 1>} : vector<1024x128xi32>
    %slice3A = vector.extract_strided_slice %dot_general3A_5 {offsets = [0, 0], sizes = [1024, 128], strides = [1, 1]} : vector<1024x2048xf32> to vector<1024x128xf32>
    %broadcast_in_dim3A = arith.constant 0 : i32
    %broadcast_in_dim3A_6 = vector.broadcast %broadcast_in_dim3A : i32 to vector<1024x128xi32>
    %slice3A_7 = vector.extract_strided_slice %dot_general3A_5 {offsets = [0, 128], sizes = [1024, 128], strides = [1, 1]} : vector<1024x2048xf32> to vector<1024x128xf32>
    %gt3A = arith.cmpf ogt, %slice3A_7, %slice3A : vector<1024x128xf32>
    %select_n3A = arith.select %gt3A, %slice3A_7, %slice3A : vector<1024x128xi1>, vector<1024x128xf32>
    %jit3A = arith.constant 1 : i32
    %broadcast_in_dim3A_8 = vector.broadcast %jit3A : i32 to vector<1024x128xi32>
    %select_n3A_9 = arith.select %gt3A, %broadcast_in_dim3A_8, %broadcast_in_dim3A_6 : vector<1024x128xi1>, vector<1024x128xi32>
    %slice3A_10 = vector.extract_strided_slice %dot_general3A_5 {offsets = [0, 256], sizes = [1024, 128], strides = [1, 1]} : vector<1024x2048xf32> to vector<1024x128xf32>
    %gt3A_11 = arith.cmpf ogt, %slice3A_10, %select_n3A : vector<1024x128xf32>
    %select_n3A_12 = arith.select %gt3A_11, %slice3A_10, %select_n3A : vector<1024x128xi1>, vector<1024x128xf32>
    %jit3A_13 = arith.constant 2 : i32
    %broadcast_in_dim3A_14 = vector.broadcast %jit3A_13 : i32 to vector<1024x128xi32>
    %select_n3A_15 = arith.select %gt3A_11, %broadcast_in_dim3A_14, %select_n3A_9 : vector<1024x128xi1>, vector<1024x128xi32>
    %slice3A_16 = vector.extract_strided_slice %dot_general3A_5 {offsets = [0, 384], sizes = [1024, 128], strides = [1, 1]} : vector<1024x2048xf32> to vector<1024x128xf32>
    %gt3A_17 = arith.cmpf ogt, %slice3A_16, %select_n3A_12 : vector<1024x128xf32>
    %select_n3A_18 = arith.select %gt3A_17, %slice3A_16, %select_n3A_12 : vector<1024x128xi1>, vector<1024x128xf32>
    %jit3A_19 = arith.constant 3 : i32
    %broadcast_in_dim3A_20 = vector.broadcast %jit3A_19 : i32 to vector<1024x128xi32>
    %select_n3A_21 = arith.select %gt3A_17, %broadcast_in_dim3A_20, %select_n3A_15 : vector<1024x128xi1>, vector<1024x128xi32>
    %slice3A_22 = vector.extract_strided_slice %dot_general3A_5 {offsets = [0, 512], sizes = [1024, 128], strides = [1, 1]} : vector<1024x2048xf32> to vector<1024x128xf32>
    %gt3A_23 = arith.cmpf ogt, %slice3A_22, %select_n3A_18 : vector<1024x128xf32>
    %select_n3A_24 = arith.select %gt3A_23, %slice3A_22, %select_n3A_18 : vector<1024x128xi1>, vector<1024x128xf32>
    %jit3A_25 = arith.constant 4 : i32
    %broadcast_in_dim3A_26 = vector.broadcast %jit3A_25 : i32 to vector<1024x128xi32>
    %select_n3A_27 = arith.select %gt3A_23, %broadcast_in_dim3A_26, %select_n3A_21 : vector<1024x128xi1>, vector<1024x128xi32>
    %slice3A_28 = vector.extract_strided_slice %dot_general3A_5 {offsets = [0, 640], sizes = [1024, 128], strides = [1, 1]} : vector<1024x2048xf32> to vector<1024x128xf32>
    %gt3A_29 = arith.cmpf ogt, %slice3A_28, %select_n3A_24 : vector<1024x128xf32>
    %select_n3A_30 = arith.select %gt3A_29, %slice3A_28, %select_n3A_24 : vector<1024x128xi1>, vector<1024x128xf32>
    %jit3A_31 = arith.constant 5 : i32
    %broadcast_in_dim3A_32 = vector.broadcast %jit3A_31 : i32 to vector<1024x128xi32>
    %select_n3A_33 = arith.select %gt3A_29, %broadcast_in_dim3A_32, %select_n3A_27 : vector<1024x128xi1>, vector<1024x128xi32>
    %slice3A_34 = vector.extract_strided_slice %dot_general3A_5 {offsets = [0, 768], sizes = [1024, 128], strides = [1, 1]} : vector<1024x2048xf32> to vector<1024x128xf32>
    %gt3A_35 = arith.cmpf ogt, %slice3A_34, %select_n3A_30 : vector<1024x128xf32>
    %select_n3A_36 = arith.select %gt3A_35, %slice3A_34, %select_n3A_30 : vector<1024x128xi1>, vector<1024x128xf32>
    %jit3A_37 = arith.constant 6 : i32
    %broadcast_in_dim3A_38 = vector.broadcast %jit3A_37 : i32 to vector<1024x128xi32>
    %select_n3A_39 = arith.select %gt3A_35, %broadcast_in_dim3A_38, %select_n3A_33 : vector<1024x128xi1>, vector<1024x128xi32>
    %slice3A_40 = vector.extract_strided_slice %dot_general3A_5 {offsets = [0, 896], sizes = [1024, 128], strides = [1, 1]} : vector<1024x2048xf32> to vector<1024x128xf32>
    %gt3A_41 = arith.cmpf ogt, %slice3A_40, %select_n3A_36 : vector<1024x128xf32>
    %select_n3A_42 = arith.select %gt3A_41, %slice3A_40, %select_n3A_36 : vector<1024x128xi1>, vector<1024x128xf32>
    %jit3A_43 = arith.constant 7 : i32
    %broadcast_in_dim3A_44 = vector.broadcast %jit3A_43 : i32 to vector<1024x128xi32>
    %select_n3A_45 = arith.select %gt3A_41, %broadcast_in_dim3A_44, %select_n3A_39 : vector<1024x128xi1>, vector<1024x128xi32>
    %slice3A_46 = vector.extract_strided_slice %dot_general3A_5 {offsets = [0, 1024], sizes = [1024, 128], strides = [1, 1]} : vector<1024x2048xf32> to vector<1024x128xf32>
    %gt3A_47 = arith.cmpf ogt, %slice3A_46, %select_n3A_42 : vector<1024x128xf32>
    %select_n3A_48 = arith.select %gt3A_47, %slice3A_46, %select_n3A_42 : vector<1024x128xi1>, vector<1024x128xf32>
    %jit3A_49 = arith.constant 8 : i32
    %broadcast_in_dim3A_50 = vector.broadcast %jit3A_49 : i32 to vector<1024x128xi32>
    %select_n3A_51 = arith.select %gt3A_47, %broadcast_in_dim3A_50, %select_n3A_45 : vector<1024x128xi1>, vector<1024x128xi32>
    %slice3A_52 = vector.extract_strided_slice %dot_general3A_5 {offsets = [0, 1152], sizes = [1024, 128], strides = [1, 1]} : vector<1024x2048xf32> to vector<1024x128xf32>
    %gt3A_53 = arith.cmpf ogt, %slice3A_52, %select_n3A_48 : vector<1024x128xf32>
    %select_n3A_54 = arith.select %gt3A_53, %slice3A_52, %select_n3A_48 : vector<1024x128xi1>, vector<1024x128xf32>
    %jit3A_55 = arith.constant 9 : i32
    %broadcast_in_dim3A_56 = vector.broadcast %jit3A_55 : i32 to vector<1024x128xi32>
    %select_n3A_57 = arith.select %gt3A_53, %broadcast_in_dim3A_56, %select_n3A_51 : vector<1024x128xi1>, vector<1024x128xi32>
    %slice3A_58 = vector.extract_strided_slice %dot_general3A_5 {offsets = [0, 1280], sizes = [1024, 128], strides = [1, 1]} : vector<1024x2048xf32> to vector<1024x128xf32>
    %gt3A_59 = arith.cmpf ogt, %slice3A_58, %select_n3A_54 : vector<1024x128xf32>
    %select_n3A_60 = arith.select %gt3A_59, %slice3A_58, %select_n3A_54 : vector<1024x128xi1>, vector<1024x128xf32>
    %jit3A_61 = arith.constant 10 : i32
    %broadcast_in_dim3A_62 = vector.broadcast %jit3A_61 : i32 to vector<1024x128xi32>
    %select_n3A_63 = arith.select %gt3A_59, %broadcast_in_dim3A_62, %select_n3A_57 : vector<1024x128xi1>, vector<1024x128xi32>
    %slice3A_64 = vector.extract_strided_slice %dot_general3A_5 {offsets = [0, 1408], sizes = [1024, 128], strides = [1, 1]} : vector<1024x2048xf32> to vector<1024x128xf32>
    %gt3A_65 = arith.cmpf ogt, %slice3A_64, %select_n3A_60 : vector<1024x128xf32>
    %select_n3A_66 = arith.select %gt3A_65, %slice3A_64, %select_n3A_60 : vector<1024x128xi1>, vector<1024x128xf32>
    %jit3A_67 = arith.constant 11 : i32
    %broadcast_in_dim3A_68 = vector.broadcast %jit3A_67 : i32 to vector<1024x128xi32>
    %select_n3A_69 = arith.select %gt3A_65, %broadcast_in_dim3A_68, %select_n3A_63 : vector<1024x128xi1>, vector<1024x128xi32>
    %slice3A_70 = vector.extract_strided_slice %dot_general3A_5 {offsets = [0, 1536], sizes = [1024, 128], strides = [1, 1]} : vector<1024x2048xf32> to vector<1024x128xf32>
    %gt3A_71 = arith.cmpf ogt, %slice3A_70, %select_n3A_66 : vector<1024x128xf32>
    %select_n3A_72 = arith.select %gt3A_71, %slice3A_70, %select_n3A_66 : vector<1024x128xi1>, vector<1024x128xf32>
    %jit3A_73 = arith.constant 12 : i32
    %broadcast_in_dim3A_74 = vector.broadcast %jit3A_73 : i32 to vector<1024x128xi32>
    %select_n3A_75 = arith.select %gt3A_71, %broadcast_in_dim3A_74, %select_n3A_69 : vector<1024x128xi1>, vector<1024x128xi32>
    %slice3A_76 = vector.extract_strided_slice %dot_general3A_5 {offsets = [0, 1664], sizes = [1024, 128], strides = [1, 1]} : vector<1024x2048xf32> to vector<1024x128xf32>
    %gt3A_77 = arith.cmpf ogt, %slice3A_76, %select_n3A_72 : vector<1024x128xf32>
    %select_n3A_78 = arith.select %gt3A_77, %slice3A_76, %select_n3A_72 : vector<1024x128xi1>, vector<1024x128xf32>
    %jit3A_79 = arith.constant 13 : i32
    %broadcast_in_dim3A_80 = vector.broadcast %jit3A_79 : i32 to vector<1024x128xi32>
    %select_n3A_81 = arith.select %gt3A_77, %broadcast_in_dim3A_80, %select_n3A_75 : vector<1024x128xi1>, vector<1024x128xi32>
    %slice3A_82 = vector.extract_strided_slice %dot_general3A_5 {offsets = [0, 1792], sizes = [1024, 128], strides = [1, 1]} : vector<1024x2048xf32> to vector<1024x128xf32>
    %gt3A_83 = arith.cmpf ogt, %slice3A_82, %select_n3A_78 : vector<1024x128xf32>
    %select_n3A_84 = arith.select %gt3A_83, %slice3A_82, %select_n3A_78 : vector<1024x128xi1>, vector<1024x128xf32>
    %jit3A_85 = arith.constant 14 : i32
    %broadcast_in_dim3A_86 = vector.broadcast %jit3A_85 : i32 to vector<1024x128xi32>
    %select_n3A_87 = arith.select %gt3A_83, %broadcast_in_dim3A_86, %select_n3A_81 : vector<1024x128xi1>, vector<1024x128xi32>
    %slice3A_88 = vector.extract_strided_slice %dot_general3A_5 {offsets = [0, 1920], sizes = [1024, 128], strides = [1, 1]} : vector<1024x2048xf32> to vector<1024x128xf32>
    %gt3A_89 = arith.cmpf ogt, %slice3A_88, %select_n3A_84 : vector<1024x128xf32>
    %select_n3A_90 = arith.select %gt3A_89, %slice3A_88, %select_n3A_84 : vector<1024x128xi1>, vector<1024x128xf32>
    %jit3A_91 = arith.constant 15 : i32
    %broadcast_in_dim3A_92 = vector.broadcast %jit3A_91 : i32 to vector<1024x128xi32>
    %select_n3A_93 = arith.select %gt3A_89, %broadcast_in_dim3A_92, %select_n3A_87 : vector<1024x128xi1>, vector<1024x128xi32>
    %mul3A = arith.constant 2048 : i32
    %mul3A_94 = arith.muli %arg0, %mul3A : i32
    %sub3A = arith.constant 100000 : i32
    %sub3A_95 = arith.subi %sub3A, %mul3A_94 : i32
    %jit3A_96 = arith.constant 16 : i32
    %div3A = arith.divsi %sub3A_95, %jit3A_96 : i32
    %sign3A = arith.constant 0 : i32
    %sign3A_97 = arith.cmpi sgt, %sub3A_95, %sign3A : i32
    %sign3A_98 = arith.extui %sign3A_97 : i1 to i32
    %sign3A_99 = arith.constant 0 : i32
    %sign3A_100 = arith.cmpi slt, %sub3A_95, %sign3A_99 : i32
    %sign3A_101 = arith.extui %sign3A_100 : i1 to i32
    %sign3A_102 = arith.subi %sign3A_98, %sign3A_101 : i32
    %sign3A_103 = arith.constant 0 : i32
    %sign3A_104 = arith.cmpi sgt, %jit3A_96, %sign3A_103 : i32
    %sign3A_105 = arith.extui %sign3A_104 : i1 to i32
    %sign3A_106 = arith.constant 0 : i32
    %sign3A_107 = arith.cmpi slt, %jit3A_96, %sign3A_106 : i32
    %sign3A_108 = arith.extui %sign3A_107 : i1 to i32
    %sign3A_109 = arith.subi %sign3A_105, %sign3A_108 : i32
    %ne3A = arith.cmpi ne, %sign3A_102, %sign3A_109 : i32
    %rem3A = arith.remsi %sub3A_95, %jit3A_96 : i32
    %ne3A_110 = arith.constant 0 : i32
    %ne3A_111 = arith.cmpi ne, %rem3A, %ne3A_110 : i32
    %and3A = arith.andi %ne3A, %ne3A_111 : i1
    %sub3A_112 = arith.constant 1 : i32
    %sub3A_113 = arith.subi %div3A, %sub3A_112 : i32
    %select_n3A_114 = arith.select %and3A, %sub3A_113, %div3A : i32
    %lt3A = vector.broadcast %select_n3A_114 : i32 to vector<1024x128xi32>
    %lt3A_115 = arith.cmpi slt, %iota3A, %lt3A : vector<1024x128xi32>
    %jit3A_116 = arith.constant 0xFF800000 : f32
    %broadcast_in_dim3A_117 = vector.broadcast %jit3A_116 : f32 to vector<1024x128xf32>
    %select_n3A_118 = arith.select %lt3A_115, %select_n3A_90, %broadcast_in_dim3A_117 : vector<1024x128xi1>, vector<1024x128xf32>
    %mul3A_119 = arith.constant 2048 : i32
    %mul3A_120 = arith.muli %arg0, %mul3A_119 : i32
    %mul3A_121 = arith.constant 16 : i32
    %mul3A_122 = vector.broadcast %mul3A_121 : i32 to vector<1024x128xi32>
    %mul3A_123 = arith.muli %mul3A_122, %iota3A : vector<1024x128xi32>
    %add3A = vector.broadcast %mul3A_120 : i32 to vector<1024x128xi32>
    %add3A_124 = arith.addi %add3A, %mul3A_123 : vector<1024x128xi32>
    %add3A_125 = arith.addi %add3A_124, %select_n3A_93 : vector<1024x128xi32>
    %swap3A = arith.constant 0 : index
    %swap3A_126 = arith.constant 0 : index
    %swap3A_127 = vector.load %arg3[%swap3A, %swap3A_126] : memref<1024x128xf32, #tpu.memory_space<vmem>>, vector<1024x128xf32>
    tpu.vector_store %arg3[%swap3A, %swap3A_126], %select_n3A_118 {strides = array<i32>} : memref<1024x128xf32, #tpu.memory_space<vmem>>, vector<1024x128xf32>,
    %swap3A_128 = arith.constant 0 : index
    %swap3A_129 = arith.constant 0 : index
    %swap3A_130 = vector.load %arg4[%swap3A_128, %swap3A_129] : memref<1024x128xi32, #tpu.memory_space<vmem>>, vector<1024x128xi32>
    tpu.vector_store %arg4[%swap3A_128, %swap3A_129], %add3A_125 {strides = array<i32>} : memref<1024x128xi32, #tpu.memory_space<vmem>>, vector<1024x128xi32>,
    %eq3A = arith.constant 0 : i32
    %eq3A_131 = arith.cmpi eq, %arg0, %eq3A : i32
    %convert_element_type3A = arith.extui %eq3A_131 : i1 to i32
    %cond3A = arith.constant 0 : i32
    %cond3A_132 = arith.cmpi ne, %convert_element_type3A, %cond3A : i32
    scf.if %cond3A_132 {
      %swap3A_138 = arith.constant 0 : index
      %swap3A_139 = arith.constant 0 : index
      %swap3A_140 = vector.load %arg5[%swap3A_138, %swap3A_139] : memref<1024x128xf32, #tpu.memory_space<vmem>>, vector<1024x128xf32>
      tpu.vector_store %arg5[%swap3A_138, %swap3A_139], %select_n3A_118 {strides = array<i32>} : memref<1024x128xf32, #tpu.memory_space<vmem>>, vector<1024x128xf32>,
      %swap3A_141 = arith.constant 0 : index
      %swap3A_142 = arith.constant 0 : index
      %swap3A_143 = vector.load %arg6[%swap3A_141, %swap3A_142] : memref<1024x128xi32, #tpu.memory_space<vmem>>, vector<1024x128xi32>
      tpu.vector_store %arg6[%swap3A_141, %swap3A_142], %add3A_125 {strides = array<i32>} : memref<1024x128xi32, #tpu.memory_space<vmem>>, vector<1024x128xi32>,
    } else {
    }
    %gt3A_133 = arith.constant 0 : i32
    %gt3A_134 = arith.cmpi sgt, %arg0, %gt3A_133 : i32
    %convert_element_type3A_135 = arith.extui %gt3A_134 : i1 to i32
    %cond3A_136 = arith.constant 0 : i32
    %cond3A_137 = arith.cmpi ne, %convert_element_type3A_135, %cond3A_136 : i32
    scf.if %cond3A_137 {
      %get3A_138 = arith.constant 0 : index
      %get3A_139 = arith.constant 0 : index
      %get3A_140 = vector.load %arg5[%get3A_138, %get3A_139] : memref<1024x128xf32, #tpu.memory_space<vmem>>, vector<1024x128xf32>
      %get3A_141 = arith.constant 0 : index
      %get3A_142 = arith.constant 0 : index
      %get3A_143 = vector.load %arg6[%get3A_141, %get3A_142] : memref<1024x128xi32, #tpu.memory_space<vmem>>, vector<1024x128xi32>
      %gt3A_144 = arith.cmpf ogt, %select_n3A_118, %get3A_140 : vector<1024x128xf32>
      %select_n3A_145 = arith.select %gt3A_144, %select_n3A_118, %get3A_140 : vector<1024x128xi1>, vector<1024x128xf32>
      %swap3A_146 = arith.constant 0 : index
      %swap3A_147 = arith.constant 0 : index
      %swap3A_148 = vector.load %arg5[%swap3A_146, %swap3A_147] : memref<1024x128xf32, #tpu.memory_space<vmem>>, vector<1024x128xf32>
      tpu.vector_store %arg5[%swap3A_146, %swap3A_147], %select_n3A_145 {strides = array<i32>} : memref<1024x128xf32, #tpu.memory_space<vmem>>, vector<1024x128xf32>,
      %select_n3A_149 = arith.select %gt3A_144, %add3A_125, %get3A_143 : vector<1024x128xi1>, vector<1024x128xi32>
      %swap3A_150 = arith.constant 0 : index
      %swap3A_151 = arith.constant 0 : index
      %swap3A_152 = vector.load %arg6[%swap3A_150, %swap3A_151] : memref<1024x128xi32, #tpu.memory_space<vmem>>, vector<1024x128xi32>
      tpu.vector_store %arg6[%swap3A_150, %swap3A_151], %select_n3A_149 {strides = array<i32>} : memref<1024x128xi32, #tpu.memory_space<vmem>>, vector<1024x128xi32>,
    } else {
    }
    return
  }
  func.func @transform_0(%arg0: i32) -> (i32, i32) {
    %c0_i32 = arith.constant 0 : i32
    %c0_i32_0 = arith.constant 0 : i32
    %c0_i32_1 = arith.constant 0 : i32
    return %c0_i32, %c0_i32_0 : i32, i32
  }
  func.func @transform_1(%arg0: i32) -> (i32, i32) {
    %c0_i32 = arith.constant 0 : i32
    %c0_i32_0 = arith.constant 0 : i32
    return %c0_i32, %arg0 : i32, i32
  }
  func.func @transform_2(%arg0: i32) -> (i32, i32) {
    %c0_i32 = arith.constant 0 : i32
    %c0_i32_0 = arith.constant 0 : i32
    return %c0_i32, %arg0 : i32, i32
  }
  func.func @transform_3(%arg0: i32) -> (i32, i32) {
    %c0_i32 = arith.constant 0 : i32
    %c0_i32_0 = arith.constant 0 : i32
    return %c0_i32, %arg0 : i32, i32
  }
  func.func @transform_4(%arg0: i32) -> (i32, i32) {
    %c0_i32 = arith.constant 0 : i32
    %c0_i32_0 = arith.constant 0 : i32
    %c0_i32_1 = arith.constant 0 : i32
    return %c0_i32, %c0_i32_0 : i32, i32
  }
  func.func @transform_5(%arg0: i32) -> (i32, i32) {
    %c0_i32 = arith.constant 0 : i32
    %c0_i32_0 = arith.constant 0 : i32
    %c0_i32_1 = arith.constant 0 : i32
    return %c0_i32, %c0_i32_0 : i32, i32
  }
}

module attributes {stable_mosaic.version = 14 : i64} {
  func.func @_topk_lex_body(%arg0: i32, %arg1: memref<256x128xf32, #tpu.memory_space<vmem>>, %arg2: memref<256x128xi32, #tpu.memory_space<vmem>>, %arg3: memref<256x20xi32, #tpu.memory_space<vmem>>) attributes {dimension_semantics = [#tpu.dimension_semantics<arbitrary>], iteration_bounds = array<i64: 4>, scalar_prefetch = 0 : i64, scratch_operands = 0 : i64, tpu.core_type = #tpu.core_type<tc>, window_params = [{transform_indices = @transform_0, window_bounds = array<i64: 256, 128>}, {transform_indices = @transform_1, window_bounds = array<i64: 256, 128>}, {transform_indices = @transform_2, window_bounds = array<i64: 256, 20>}]} {
    %get3A = arith.constant 0 : index
    %get3A_0 = arith.constant 0 : index
    %get3A_1 = vector.load %arg1[%get3A, %get3A_0] : memref<256x128xf32, #tpu.memory_space<vmem>>, vector<256x128xf32>
    %get3A_2 = arith.constant 0 : index
    %get3A_3 = arith.constant 0 : index
    %get3A_4 = vector.load %arg2[%get3A_2, %get3A_3] : memref<256x128xi32, #tpu.memory_space<vmem>>, vector<256x128xi32>
    %reduce_max3A = arith.constant dense<0xFF800000> : vector<256xf32>
    %reduce_max3A_5 = vector.multi_reduction <maximumf>, %get3A_1, %reduce_max3A [1] : vector<256x128xf32> to vector<256xf32>
    %broadcast_in_dim3A = vector.shape_cast %reduce_max3A_5 : vector<256xf32> to vector<256x1xf32>
    %eq3A = vector.broadcast %broadcast_in_dim3A : vector<256x1xf32> to vector<256x128xf32>
    %eq3A_6 = arith.cmpf oeq, %get3A_1, %eq3A : vector<256x128xf32>
    %jit3A = arith.constant 1073741824 : i32
    %broadcast_in_dim3A_7 = vector.broadcast %jit3A : i32 to vector<256x128xi32>
    %select_n3A = arith.select %eq3A_6, %get3A_4, %broadcast_in_dim3A_7 : vector<256x128xi1>, vector<256x128xi32>
    %reduce_min3A = arith.constant dense<2147483647> : vector<256xi32>
    %reduce_min3A_8 = vector.multi_reduction <minsi>, %select_n3A, %reduce_min3A [1] : vector<256x128xi32> to vector<256xi32>
    %broadcast_in_dim3A_9 = vector.shape_cast %reduce_min3A_8 : vector<256xi32> to vector<256x1xi32>
    %eq3A_10 = vector.broadcast %broadcast_in_dim3A_9 : vector<256x1xi32> to vector<256x128xi32>
    %eq3A_11 = arith.cmpi eq, %get3A_4, %eq3A_10 : vector<256x128xi32>
    %and3A = arith.andi %eq3A_6, %eq3A_11 : vector<256x128xi1>
    %jit3A_12 = arith.constant 0xFF800000 : f32
    %broadcast_in_dim3A_13 = vector.broadcast %jit3A_12 : f32 to vector<256x128xf32>
    %select_n3A_14 = arith.select %and3A, %broadcast_in_dim3A_13, %get3A_1 : vector<256x128xi1>, vector<256x128xf32>
    %reduce_max3A_15 = arith.constant dense<0xFF800000> : vector<256xf32>
    %reduce_max3A_16 = vector.multi_reduction <maximumf>, %select_n3A_14, %reduce_max3A_15 [1] : vector<256x128xf32> to vector<256xf32>
    %broadcast_in_dim3A_17 = vector.shape_cast %reduce_max3A_16 : vector<256xf32> to vector<256x1xf32>
    %eq3A_18 = vector.broadcast %broadcast_in_dim3A_17 : vector<256x1xf32> to vector<256x128xf32>
    %eq3A_19 = arith.cmpf oeq, %select_n3A_14, %eq3A_18 : vector<256x128xf32>
    %jit3A_20 = arith.constant 1073741824 : i32
    %broadcast_in_dim3A_21 = vector.broadcast %jit3A_20 : i32 to vector<256x128xi32>
    %select_n3A_22 = arith.select %eq3A_19, %get3A_4, %broadcast_in_dim3A_21 : vector<256x128xi1>, vector<256x128xi32>
    %reduce_min3A_23 = arith.constant dense<2147483647> : vector<256xi32>
    %reduce_min3A_24 = vector.multi_reduction <minsi>, %select_n3A_22, %reduce_min3A_23 [1] : vector<256x128xi32> to vector<256xi32>
    %broadcast_in_dim3A_25 = vector.shape_cast %reduce_min3A_24 : vector<256xi32> to vector<256x1xi32>
    %eq3A_26 = vector.broadcast %broadcast_in_dim3A_25 : vector<256x1xi32> to vector<256x128xi32>
    %eq3A_27 = arith.cmpi eq, %get3A_4, %eq3A_26 : vector<256x128xi32>
    %and3A_28 = arith.andi %eq3A_19, %eq3A_27 : vector<256x128xi1>
    %jit3A_29 = arith.constant 0xFF800000 : f32
    %broadcast_in_dim3A_30 = vector.broadcast %jit3A_29 : f32 to vector<256x128xf32>
    %select_n3A_31 = arith.select %and3A_28, %broadcast_in_dim3A_30, %select_n3A_14 : vector<256x128xi1>, vector<256x128xf32>
    %reduce_max3A_32 = arith.constant dense<0xFF800000> : vector<256xf32>
    %reduce_max3A_33 = vector.multi_reduction <maximumf>, %select_n3A_31, %reduce_max3A_32 [1] : vector<256x128xf32> to vector<256xf32>
    %broadcast_in_dim3A_34 = vector.shape_cast %reduce_max3A_33 : vector<256xf32> to vector<256x1xf32>
    %eq3A_35 = vector.broadcast %broadcast_in_dim3A_34 : vector<256x1xf32> to vector<256x128xf32>
    %eq3A_36 = arith.cmpf oeq, %select_n3A_31, %eq3A_35 : vector<256x128xf32>
    %jit3A_37 = arith.constant 1073741824 : i32
    %broadcast_in_dim3A_38 = vector.broadcast %jit3A_37 : i32 to vector<256x128xi32>
    %select_n3A_39 = arith.select %eq3A_36, %get3A_4, %broadcast_in_dim3A_38 : vector<256x128xi1>, vector<256x128xi32>
    %reduce_min3A_40 = arith.constant dense<2147483647> : vector<256xi32>
    %reduce_min3A_41 = vector.multi_reduction <minsi>, %select_n3A_39, %reduce_min3A_40 [1] : vector<256x128xi32> to vector<256xi32>
    %broadcast_in_dim3A_42 = vector.shape_cast %reduce_min3A_41 : vector<256xi32> to vector<256x1xi32>
    %eq3A_43 = vector.broadcast %broadcast_in_dim3A_42 : vector<256x1xi32> to vector<256x128xi32>
    %eq3A_44 = arith.cmpi eq, %get3A_4, %eq3A_43 : vector<256x128xi32>
    %and3A_45 = arith.andi %eq3A_36, %eq3A_44 : vector<256x128xi1>
    %jit3A_46 = arith.constant 0xFF800000 : f32
    %broadcast_in_dim3A_47 = vector.broadcast %jit3A_46 : f32 to vector<256x128xf32>
    %select_n3A_48 = arith.select %and3A_45, %broadcast_in_dim3A_47, %select_n3A_31 : vector<256x128xi1>, vector<256x128xf32>
    %reduce_max3A_49 = arith.constant dense<0xFF800000> : vector<256xf32>
    %reduce_max3A_50 = vector.multi_reduction <maximumf>, %select_n3A_48, %reduce_max3A_49 [1] : vector<256x128xf32> to vector<256xf32>
    %broadcast_in_dim3A_51 = vector.shape_cast %reduce_max3A_50 : vector<256xf32> to vector<256x1xf32>
    %eq3A_52 = vector.broadcast %broadcast_in_dim3A_51 : vector<256x1xf32> to vector<256x128xf32>
    %eq3A_53 = arith.cmpf oeq, %select_n3A_48, %eq3A_52 : vector<256x128xf32>
    %jit3A_54 = arith.constant 1073741824 : i32
    %broadcast_in_dim3A_55 = vector.broadcast %jit3A_54 : i32 to vector<256x128xi32>
    %select_n3A_56 = arith.select %eq3A_53, %get3A_4, %broadcast_in_dim3A_55 : vector<256x128xi1>, vector<256x128xi32>
    %reduce_min3A_57 = arith.constant dense<2147483647> : vector<256xi32>
    %reduce_min3A_58 = vector.multi_reduction <minsi>, %select_n3A_56, %reduce_min3A_57 [1] : vector<256x128xi32> to vector<256xi32>
    %broadcast_in_dim3A_59 = vector.shape_cast %reduce_min3A_58 : vector<256xi32> to vector<256x1xi32>
    %eq3A_60 = vector.broadcast %broadcast_in_dim3A_59 : vector<256x1xi32> to vector<256x128xi32>
    %eq3A_61 = arith.cmpi eq, %get3A_4, %eq3A_60 : vector<256x128xi32>
    %and3A_62 = arith.andi %eq3A_53, %eq3A_61 : vector<256x128xi1>
    %jit3A_63 = arith.constant 0xFF800000 : f32
    %broadcast_in_dim3A_64 = vector.broadcast %jit3A_63 : f32 to vector<256x128xf32>
    %select_n3A_65 = arith.select %and3A_62, %broadcast_in_dim3A_64, %select_n3A_48 : vector<256x128xi1>, vector<256x128xf32>
    %reduce_max3A_66 = arith.constant dense<0xFF800000> : vector<256xf32>
    %reduce_max3A_67 = vector.multi_reduction <maximumf>, %select_n3A_65, %reduce_max3A_66 [1] : vector<256x128xf32> to vector<256xf32>
    %broadcast_in_dim3A_68 = vector.shape_cast %reduce_max3A_67 : vector<256xf32> to vector<256x1xf32>
    %eq3A_69 = vector.broadcast %broadcast_in_dim3A_68 : vector<256x1xf32> to vector<256x128xf32>
    %eq3A_70 = arith.cmpf oeq, %select_n3A_65, %eq3A_69 : vector<256x128xf32>
    %jit3A_71 = arith.constant 1073741824 : i32
    %broadcast_in_dim3A_72 = vector.broadcast %jit3A_71 : i32 to vector<256x128xi32>
    %select_n3A_73 = arith.select %eq3A_70, %get3A_4, %broadcast_in_dim3A_72 : vector<256x128xi1>, vector<256x128xi32>
    %reduce_min3A_74 = arith.constant dense<2147483647> : vector<256xi32>
    %reduce_min3A_75 = vector.multi_reduction <minsi>, %select_n3A_73, %reduce_min3A_74 [1] : vector<256x128xi32> to vector<256xi32>
    %broadcast_in_dim3A_76 = vector.shape_cast %reduce_min3A_75 : vector<256xi32> to vector<256x1xi32>
    %eq3A_77 = vector.broadcast %broadcast_in_dim3A_76 : vector<256x1xi32> to vector<256x128xi32>
    %eq3A_78 = arith.cmpi eq, %get3A_4, %eq3A_77 : vector<256x128xi32>
    %and3A_79 = arith.andi %eq3A_70, %eq3A_78 : vector<256x128xi1>
    %jit3A_80 = arith.constant 0xFF800000 : f32
    %broadcast_in_dim3A_81 = vector.broadcast %jit3A_80 : f32 to vector<256x128xf32>
    %select_n3A_82 = arith.select %and3A_79, %broadcast_in_dim3A_81, %select_n3A_65 : vector<256x128xi1>, vector<256x128xf32>
    %reduce_max3A_83 = arith.constant dense<0xFF800000> : vector<256xf32>
    %reduce_max3A_84 = vector.multi_reduction <maximumf>, %select_n3A_82, %reduce_max3A_83 [1] : vector<256x128xf32> to vector<256xf32>
    %broadcast_in_dim3A_85 = vector.shape_cast %reduce_max3A_84 : vector<256xf32> to vector<256x1xf32>
    %eq3A_86 = vector.broadcast %broadcast_in_dim3A_85 : vector<256x1xf32> to vector<256x128xf32>
    %eq3A_87 = arith.cmpf oeq, %select_n3A_82, %eq3A_86 : vector<256x128xf32>
    %jit3A_88 = arith.constant 1073741824 : i32
    %broadcast_in_dim3A_89 = vector.broadcast %jit3A_88 : i32 to vector<256x128xi32>
    %select_n3A_90 = arith.select %eq3A_87, %get3A_4, %broadcast_in_dim3A_89 : vector<256x128xi1>, vector<256x128xi32>
    %reduce_min3A_91 = arith.constant dense<2147483647> : vector<256xi32>
    %reduce_min3A_92 = vector.multi_reduction <minsi>, %select_n3A_90, %reduce_min3A_91 [1] : vector<256x128xi32> to vector<256xi32>
    %broadcast_in_dim3A_93 = vector.shape_cast %reduce_min3A_92 : vector<256xi32> to vector<256x1xi32>
    %eq3A_94 = vector.broadcast %broadcast_in_dim3A_93 : vector<256x1xi32> to vector<256x128xi32>
    %eq3A_95 = arith.cmpi eq, %get3A_4, %eq3A_94 : vector<256x128xi32>
    %and3A_96 = arith.andi %eq3A_87, %eq3A_95 : vector<256x128xi1>
    %jit3A_97 = arith.constant 0xFF800000 : f32
    %broadcast_in_dim3A_98 = vector.broadcast %jit3A_97 : f32 to vector<256x128xf32>
    %select_n3A_99 = arith.select %and3A_96, %broadcast_in_dim3A_98, %select_n3A_82 : vector<256x128xi1>, vector<256x128xf32>
    %reduce_max3A_100 = arith.constant dense<0xFF800000> : vector<256xf32>
    %reduce_max3A_101 = vector.multi_reduction <maximumf>, %select_n3A_99, %reduce_max3A_100 [1] : vector<256x128xf32> to vector<256xf32>
    %broadcast_in_dim3A_102 = vector.shape_cast %reduce_max3A_101 : vector<256xf32> to vector<256x1xf32>
    %eq3A_103 = vector.broadcast %broadcast_in_dim3A_102 : vector<256x1xf32> to vector<256x128xf32>
    %eq3A_104 = arith.cmpf oeq, %select_n3A_99, %eq3A_103 : vector<256x128xf32>
    %jit3A_105 = arith.constant 1073741824 : i32
    %broadcast_in_dim3A_106 = vector.broadcast %jit3A_105 : i32 to vector<256x128xi32>
    %select_n3A_107 = arith.select %eq3A_104, %get3A_4, %broadcast_in_dim3A_106 : vector<256x128xi1>, vector<256x128xi32>
    %reduce_min3A_108 = arith.constant dense<2147483647> : vector<256xi32>
    %reduce_min3A_109 = vector.multi_reduction <minsi>, %select_n3A_107, %reduce_min3A_108 [1] : vector<256x128xi32> to vector<256xi32>
    %broadcast_in_dim3A_110 = vector.shape_cast %reduce_min3A_109 : vector<256xi32> to vector<256x1xi32>
    %eq3A_111 = vector.broadcast %broadcast_in_dim3A_110 : vector<256x1xi32> to vector<256x128xi32>
    %eq3A_112 = arith.cmpi eq, %get3A_4, %eq3A_111 : vector<256x128xi32>
    %and3A_113 = arith.andi %eq3A_104, %eq3A_112 : vector<256x128xi1>
    %jit3A_114 = arith.constant 0xFF800000 : f32
    %broadcast_in_dim3A_115 = vector.broadcast %jit3A_114 : f32 to vector<256x128xf32>
    %select_n3A_116 = arith.select %and3A_113, %broadcast_in_dim3A_115, %select_n3A_99 : vector<256x128xi1>, vector<256x128xf32>
    %reduce_max3A_117 = arith.constant dense<0xFF800000> : vector<256xf32>
    %reduce_max3A_118 = vector.multi_reduction <maximumf>, %select_n3A_116, %reduce_max3A_117 [1] : vector<256x128xf32> to vector<256xf32>
    %broadcast_in_dim3A_119 = vector.shape_cast %reduce_max3A_118 : vector<256xf32> to vector<256x1xf32>
    %eq3A_120 = vector.broadcast %broadcast_in_dim3A_119 : vector<256x1xf32> to vector<256x128xf32>
    %eq3A_121 = arith.cmpf oeq, %select_n3A_116, %eq3A_120 : vector<256x128xf32>
    %jit3A_122 = arith.constant 1073741824 : i32
    %broadcast_in_dim3A_123 = vector.broadcast %jit3A_122 : i32 to vector<256x128xi32>
    %select_n3A_124 = arith.select %eq3A_121, %get3A_4, %broadcast_in_dim3A_123 : vector<256x128xi1>, vector<256x128xi32>
    %reduce_min3A_125 = arith.constant dense<2147483647> : vector<256xi32>
    %reduce_min3A_126 = vector.multi_reduction <minsi>, %select_n3A_124, %reduce_min3A_125 [1] : vector<256x128xi32> to vector<256xi32>
    %broadcast_in_dim3A_127 = vector.shape_cast %reduce_min3A_126 : vector<256xi32> to vector<256x1xi32>
    %eq3A_128 = vector.broadcast %broadcast_in_dim3A_127 : vector<256x1xi32> to vector<256x128xi32>
    %eq3A_129 = arith.cmpi eq, %get3A_4, %eq3A_128 : vector<256x128xi32>
    %and3A_130 = arith.andi %eq3A_121, %eq3A_129 : vector<256x128xi1>
    %jit3A_131 = arith.constant 0xFF800000 : f32
    %broadcast_in_dim3A_132 = vector.broadcast %jit3A_131 : f32 to vector<256x128xf32>
    %select_n3A_133 = arith.select %and3A_130, %broadcast_in_dim3A_132, %select_n3A_116 : vector<256x128xi1>, vector<256x128xf32>
    %reduce_max3A_134 = arith.constant dense<0xFF800000> : vector<256xf32>
    %reduce_max3A_135 = vector.multi_reduction <maximumf>, %select_n3A_133, %reduce_max3A_134 [1] : vector<256x128xf32> to vector<256xf32>
    %broadcast_in_dim3A_136 = vector.shape_cast %reduce_max3A_135 : vector<256xf32> to vector<256x1xf32>
    %eq3A_137 = vector.broadcast %broadcast_in_dim3A_136 : vector<256x1xf32> to vector<256x128xf32>
    %eq3A_138 = arith.cmpf oeq, %select_n3A_133, %eq3A_137 : vector<256x128xf32>
    %jit3A_139 = arith.constant 1073741824 : i32
    %broadcast_in_dim3A_140 = vector.broadcast %jit3A_139 : i32 to vector<256x128xi32>
    %select_n3A_141 = arith.select %eq3A_138, %get3A_4, %broadcast_in_dim3A_140 : vector<256x128xi1>, vector<256x128xi32>
    %reduce_min3A_142 = arith.constant dense<2147483647> : vector<256xi32>
    %reduce_min3A_143 = vector.multi_reduction <minsi>, %select_n3A_141, %reduce_min3A_142 [1] : vector<256x128xi32> to vector<256xi32>
    %broadcast_in_dim3A_144 = vector.shape_cast %reduce_min3A_143 : vector<256xi32> to vector<256x1xi32>
    %eq3A_145 = vector.broadcast %broadcast_in_dim3A_144 : vector<256x1xi32> to vector<256x128xi32>
    %eq3A_146 = arith.cmpi eq, %get3A_4, %eq3A_145 : vector<256x128xi32>
    %and3A_147 = arith.andi %eq3A_138, %eq3A_146 : vector<256x128xi1>
    %jit3A_148 = arith.constant 0xFF800000 : f32
    %broadcast_in_dim3A_149 = vector.broadcast %jit3A_148 : f32 to vector<256x128xf32>
    %select_n3A_150 = arith.select %and3A_147, %broadcast_in_dim3A_149, %select_n3A_133 : vector<256x128xi1>, vector<256x128xf32>
    %reduce_max3A_151 = arith.constant dense<0xFF800000> : vector<256xf32>
    %reduce_max3A_152 = vector.multi_reduction <maximumf>, %select_n3A_150, %reduce_max3A_151 [1] : vector<256x128xf32> to vector<256xf32>
    %broadcast_in_dim3A_153 = vector.shape_cast %reduce_max3A_152 : vector<256xf32> to vector<256x1xf32>
    %eq3A_154 = vector.broadcast %broadcast_in_dim3A_153 : vector<256x1xf32> to vector<256x128xf32>
    %eq3A_155 = arith.cmpf oeq, %select_n3A_150, %eq3A_154 : vector<256x128xf32>
    %jit3A_156 = arith.constant 1073741824 : i32
    %broadcast_in_dim3A_157 = vector.broadcast %jit3A_156 : i32 to vector<256x128xi32>
    %select_n3A_158 = arith.select %eq3A_155, %get3A_4, %broadcast_in_dim3A_157 : vector<256x128xi1>, vector<256x128xi32>
    %reduce_min3A_159 = arith.constant dense<2147483647> : vector<256xi32>
    %reduce_min3A_160 = vector.multi_reduction <minsi>, %select_n3A_158, %reduce_min3A_159 [1] : vector<256x128xi32> to vector<256xi32>
    %broadcast_in_dim3A_161 = vector.shape_cast %reduce_min3A_160 : vector<256xi32> to vector<256x1xi32>
    %eq3A_162 = vector.broadcast %broadcast_in_dim3A_161 : vector<256x1xi32> to vector<256x128xi32>
    %eq3A_163 = arith.cmpi eq, %get3A_4, %eq3A_162 : vector<256x128xi32>
    %and3A_164 = arith.andi %eq3A_155, %eq3A_163 : vector<256x128xi1>
    %jit3A_165 = arith.constant 0xFF800000 : f32
    %broadcast_in_dim3A_166 = vector.broadcast %jit3A_165 : f32 to vector<256x128xf32>
    %select_n3A_167 = arith.select %and3A_164, %broadcast_in_dim3A_166, %select_n3A_150 : vector<256x128xi1>, vector<256x128xf32>
    %reduce_max3A_168 = arith.constant dense<0xFF800000> : vector<256xf32>
    %reduce_max3A_169 = vector.multi_reduction <maximumf>, %select_n3A_167, %reduce_max3A_168 [1] : vector<256x128xf32> to vector<256xf32>
    %broadcast_in_dim3A_170 = vector.shape_cast %reduce_max3A_169 : vector<256xf32> to vector<256x1xf32>
    %eq3A_171 = vector.broadcast %broadcast_in_dim3A_170 : vector<256x1xf32> to vector<256x128xf32>
    %eq3A_172 = arith.cmpf oeq, %select_n3A_167, %eq3A_171 : vector<256x128xf32>
    %jit3A_173 = arith.constant 1073741824 : i32
    %broadcast_in_dim3A_174 = vector.broadcast %jit3A_173 : i32 to vector<256x128xi32>
    %select_n3A_175 = arith.select %eq3A_172, %get3A_4, %broadcast_in_dim3A_174 : vector<256x128xi1>, vector<256x128xi32>
    %reduce_min3A_176 = arith.constant dense<2147483647> : vector<256xi32>
    %reduce_min3A_177 = vector.multi_reduction <minsi>, %select_n3A_175, %reduce_min3A_176 [1] : vector<256x128xi32> to vector<256xi32>
    %broadcast_in_dim3A_178 = vector.shape_cast %reduce_min3A_177 : vector<256xi32> to vector<256x1xi32>
    %eq3A_179 = vector.broadcast %broadcast_in_dim3A_178 : vector<256x1xi32> to vector<256x128xi32>
    %eq3A_180 = arith.cmpi eq, %get3A_4, %eq3A_179 : vector<256x128xi32>
    %and3A_181 = arith.andi %eq3A_172, %eq3A_180 : vector<256x128xi1>
    %jit3A_182 = arith.constant 0xFF800000 : f32
    %broadcast_in_dim3A_183 = vector.broadcast %jit3A_182 : f32 to vector<256x128xf32>
    %select_n3A_184 = arith.select %and3A_181, %broadcast_in_dim3A_183, %select_n3A_167 : vector<256x128xi1>, vector<256x128xf32>
    %reduce_max3A_185 = arith.constant dense<0xFF800000> : vector<256xf32>
    %reduce_max3A_186 = vector.multi_reduction <maximumf>, %select_n3A_184, %reduce_max3A_185 [1] : vector<256x128xf32> to vector<256xf32>
    %broadcast_in_dim3A_187 = vector.shape_cast %reduce_max3A_186 : vector<256xf32> to vector<256x1xf32>
    %eq3A_188 = vector.broadcast %broadcast_in_dim3A_187 : vector<256x1xf32> to vector<256x128xf32>
    %eq3A_189 = arith.cmpf oeq, %select_n3A_184, %eq3A_188 : vector<256x128xf32>
    %jit3A_190 = arith.constant 1073741824 : i32
    %broadcast_in_dim3A_191 = vector.broadcast %jit3A_190 : i32 to vector<256x128xi32>
    %select_n3A_192 = arith.select %eq3A_189, %get3A_4, %broadcast_in_dim3A_191 : vector<256x128xi1>, vector<256x128xi32>
    %reduce_min3A_193 = arith.constant dense<2147483647> : vector<256xi32>
    %reduce_min3A_194 = vector.multi_reduction <minsi>, %select_n3A_192, %reduce_min3A_193 [1] : vector<256x128xi32> to vector<256xi32>
    %broadcast_in_dim3A_195 = vector.shape_cast %reduce_min3A_194 : vector<256xi32> to vector<256x1xi32>
    %eq3A_196 = vector.broadcast %broadcast_in_dim3A_195 : vector<256x1xi32> to vector<256x128xi32>
    %eq3A_197 = arith.cmpi eq, %get3A_4, %eq3A_196 : vector<256x128xi32>
    %and3A_198 = arith.andi %eq3A_189, %eq3A_197 : vector<256x128xi1>
    %jit3A_199 = arith.constant 0xFF800000 : f32
    %broadcast_in_dim3A_200 = vector.broadcast %jit3A_199 : f32 to vector<256x128xf32>
    %select_n3A_201 = arith.select %and3A_198, %broadcast_in_dim3A_200, %select_n3A_184 : vector<256x128xi1>, vector<256x128xf32>
    %reduce_max3A_202 = arith.constant dense<0xFF800000> : vector<256xf32>
    %reduce_max3A_203 = vector.multi_reduction <maximumf>, %select_n3A_201, %reduce_max3A_202 [1] : vector<256x128xf32> to vector<256xf32>
    %broadcast_in_dim3A_204 = vector.shape_cast %reduce_max3A_203 : vector<256xf32> to vector<256x1xf32>
    %eq3A_205 = vector.broadcast %broadcast_in_dim3A_204 : vector<256x1xf32> to vector<256x128xf32>
    %eq3A_206 = arith.cmpf oeq, %select_n3A_201, %eq3A_205 : vector<256x128xf32>
    %jit3A_207 = arith.constant 1073741824 : i32
    %broadcast_in_dim3A_208 = vector.broadcast %jit3A_207 : i32 to vector<256x128xi32>
    %select_n3A_209 = arith.select %eq3A_206, %get3A_4, %broadcast_in_dim3A_208 : vector<256x128xi1>, vector<256x128xi32>
    %reduce_min3A_210 = arith.constant dense<2147483647> : vector<256xi32>
    %reduce_min3A_211 = vector.multi_reduction <minsi>, %select_n3A_209, %reduce_min3A_210 [1] : vector<256x128xi32> to vector<256xi32>
    %broadcast_in_dim3A_212 = vector.shape_cast %reduce_min3A_211 : vector<256xi32> to vector<256x1xi32>
    %eq3A_213 = vector.broadcast %broadcast_in_dim3A_212 : vector<256x1xi32> to vector<256x128xi32>
    %eq3A_214 = arith.cmpi eq, %get3A_4, %eq3A_213 : vector<256x128xi32>
    %and3A_215 = arith.andi %eq3A_206, %eq3A_214 : vector<256x128xi1>
    %jit3A_216 = arith.constant 0xFF800000 : f32
    %broadcast_in_dim3A_217 = vector.broadcast %jit3A_216 : f32 to vector<256x128xf32>
    %select_n3A_218 = arith.select %and3A_215, %broadcast_in_dim3A_217, %select_n3A_201 : vector<256x128xi1>, vector<256x128xf32>
    %reduce_max3A_219 = arith.constant dense<0xFF800000> : vector<256xf32>
    %reduce_max3A_220 = vector.multi_reduction <maximumf>, %select_n3A_218, %reduce_max3A_219 [1] : vector<256x128xf32> to vector<256xf32>
    %broadcast_in_dim3A_221 = vector.shape_cast %reduce_max3A_220 : vector<256xf32> to vector<256x1xf32>
    %eq3A_222 = vector.broadcast %broadcast_in_dim3A_221 : vector<256x1xf32> to vector<256x128xf32>
    %eq3A_223 = arith.cmpf oeq, %select_n3A_218, %eq3A_222 : vector<256x128xf32>
    %jit3A_224 = arith.constant 1073741824 : i32
    %broadcast_in_dim3A_225 = vector.broadcast %jit3A_224 : i32 to vector<256x128xi32>
    %select_n3A_226 = arith.select %eq3A_223, %get3A_4, %broadcast_in_dim3A_225 : vector<256x128xi1>, vector<256x128xi32>
    %reduce_min3A_227 = arith.constant dense<2147483647> : vector<256xi32>
    %reduce_min3A_228 = vector.multi_reduction <minsi>, %select_n3A_226, %reduce_min3A_227 [1] : vector<256x128xi32> to vector<256xi32>
    %broadcast_in_dim3A_229 = vector.shape_cast %reduce_min3A_228 : vector<256xi32> to vector<256x1xi32>
    %eq3A_230 = vector.broadcast %broadcast_in_dim3A_229 : vector<256x1xi32> to vector<256x128xi32>
    %eq3A_231 = arith.cmpi eq, %get3A_4, %eq3A_230 : vector<256x128xi32>
    %and3A_232 = arith.andi %eq3A_223, %eq3A_231 : vector<256x128xi1>
    %jit3A_233 = arith.constant 0xFF800000 : f32
    %broadcast_in_dim3A_234 = vector.broadcast %jit3A_233 : f32 to vector<256x128xf32>
    %select_n3A_235 = arith.select %and3A_232, %broadcast_in_dim3A_234, %select_n3A_218 : vector<256x128xi1>, vector<256x128xf32>
    %reduce_max3A_236 = arith.constant dense<0xFF800000> : vector<256xf32>
    %reduce_max3A_237 = vector.multi_reduction <maximumf>, %select_n3A_235, %reduce_max3A_236 [1] : vector<256x128xf32> to vector<256xf32>
    %broadcast_in_dim3A_238 = vector.shape_cast %reduce_max3A_237 : vector<256xf32> to vector<256x1xf32>
    %eq3A_239 = vector.broadcast %broadcast_in_dim3A_238 : vector<256x1xf32> to vector<256x128xf32>
    %eq3A_240 = arith.cmpf oeq, %select_n3A_235, %eq3A_239 : vector<256x128xf32>
    %jit3A_241 = arith.constant 1073741824 : i32
    %broadcast_in_dim3A_242 = vector.broadcast %jit3A_241 : i32 to vector<256x128xi32>
    %select_n3A_243 = arith.select %eq3A_240, %get3A_4, %broadcast_in_dim3A_242 : vector<256x128xi1>, vector<256x128xi32>
    %reduce_min3A_244 = arith.constant dense<2147483647> : vector<256xi32>
    %reduce_min3A_245 = vector.multi_reduction <minsi>, %select_n3A_243, %reduce_min3A_244 [1] : vector<256x128xi32> to vector<256xi32>
    %broadcast_in_dim3A_246 = vector.shape_cast %reduce_min3A_245 : vector<256xi32> to vector<256x1xi32>
    %eq3A_247 = vector.broadcast %broadcast_in_dim3A_246 : vector<256x1xi32> to vector<256x128xi32>
    %eq3A_248 = arith.cmpi eq, %get3A_4, %eq3A_247 : vector<256x128xi32>
    %and3A_249 = arith.andi %eq3A_240, %eq3A_248 : vector<256x128xi1>
    %jit3A_250 = arith.constant 0xFF800000 : f32
    %broadcast_in_dim3A_251 = vector.broadcast %jit3A_250 : f32 to vector<256x128xf32>
    %select_n3A_252 = arith.select %and3A_249, %broadcast_in_dim3A_251, %select_n3A_235 : vector<256x128xi1>, vector<256x128xf32>
    %reduce_max3A_253 = arith.constant dense<0xFF800000> : vector<256xf32>
    %reduce_max3A_254 = vector.multi_reduction <maximumf>, %select_n3A_252, %reduce_max3A_253 [1] : vector<256x128xf32> to vector<256xf32>
    %broadcast_in_dim3A_255 = vector.shape_cast %reduce_max3A_254 : vector<256xf32> to vector<256x1xf32>
    %eq3A_256 = vector.broadcast %broadcast_in_dim3A_255 : vector<256x1xf32> to vector<256x128xf32>
    %eq3A_257 = arith.cmpf oeq, %select_n3A_252, %eq3A_256 : vector<256x128xf32>
    %jit3A_258 = arith.constant 1073741824 : i32
    %broadcast_in_dim3A_259 = vector.broadcast %jit3A_258 : i32 to vector<256x128xi32>
    %select_n3A_260 = arith.select %eq3A_257, %get3A_4, %broadcast_in_dim3A_259 : vector<256x128xi1>, vector<256x128xi32>
    %reduce_min3A_261 = arith.constant dense<2147483647> : vector<256xi32>
    %reduce_min3A_262 = vector.multi_reduction <minsi>, %select_n3A_260, %reduce_min3A_261 [1] : vector<256x128xi32> to vector<256xi32>
    %broadcast_in_dim3A_263 = vector.shape_cast %reduce_min3A_262 : vector<256xi32> to vector<256x1xi32>
    %eq3A_264 = vector.broadcast %broadcast_in_dim3A_263 : vector<256x1xi32> to vector<256x128xi32>
    %eq3A_265 = arith.cmpi eq, %get3A_4, %eq3A_264 : vector<256x128xi32>
    %and3A_266 = arith.andi %eq3A_257, %eq3A_265 : vector<256x128xi1>
    %jit3A_267 = arith.constant 0xFF800000 : f32
    %broadcast_in_dim3A_268 = vector.broadcast %jit3A_267 : f32 to vector<256x128xf32>
    %select_n3A_269 = arith.select %and3A_266, %broadcast_in_dim3A_268, %select_n3A_252 : vector<256x128xi1>, vector<256x128xf32>
    %reduce_max3A_270 = arith.constant dense<0xFF800000> : vector<256xf32>
    %reduce_max3A_271 = vector.multi_reduction <maximumf>, %select_n3A_269, %reduce_max3A_270 [1] : vector<256x128xf32> to vector<256xf32>
    %broadcast_in_dim3A_272 = vector.shape_cast %reduce_max3A_271 : vector<256xf32> to vector<256x1xf32>
    %eq3A_273 = vector.broadcast %broadcast_in_dim3A_272 : vector<256x1xf32> to vector<256x128xf32>
    %eq3A_274 = arith.cmpf oeq, %select_n3A_269, %eq3A_273 : vector<256x128xf32>
    %jit3A_275 = arith.constant 1073741824 : i32
    %broadcast_in_dim3A_276 = vector.broadcast %jit3A_275 : i32 to vector<256x128xi32>
    %select_n3A_277 = arith.select %eq3A_274, %get3A_4, %broadcast_in_dim3A_276 : vector<256x128xi1>, vector<256x128xi32>
    %reduce_min3A_278 = arith.constant dense<2147483647> : vector<256xi32>
    %reduce_min3A_279 = vector.multi_reduction <minsi>, %select_n3A_277, %reduce_min3A_278 [1] : vector<256x128xi32> to vector<256xi32>
    %broadcast_in_dim3A_280 = vector.shape_cast %reduce_min3A_279 : vector<256xi32> to vector<256x1xi32>
    %eq3A_281 = vector.broadcast %broadcast_in_dim3A_280 : vector<256x1xi32> to vector<256x128xi32>
    %eq3A_282 = arith.cmpi eq, %get3A_4, %eq3A_281 : vector<256x128xi32>
    %and3A_283 = arith.andi %eq3A_274, %eq3A_282 : vector<256x128xi1>
    %jit3A_284 = arith.constant 0xFF800000 : f32
    %broadcast_in_dim3A_285 = vector.broadcast %jit3A_284 : f32 to vector<256x128xf32>
    %select_n3A_286 = arith.select %and3A_283, %broadcast_in_dim3A_285, %select_n3A_269 : vector<256x128xi1>, vector<256x128xf32>
    %reduce_max3A_287 = arith.constant dense<0xFF800000> : vector<256xf32>
    %reduce_max3A_288 = vector.multi_reduction <maximumf>, %select_n3A_286, %reduce_max3A_287 [1] : vector<256x128xf32> to vector<256xf32>
    %broadcast_in_dim3A_289 = vector.shape_cast %reduce_max3A_288 : vector<256xf32> to vector<256x1xf32>
    %eq3A_290 = vector.broadcast %broadcast_in_dim3A_289 : vector<256x1xf32> to vector<256x128xf32>
    %eq3A_291 = arith.cmpf oeq, %select_n3A_286, %eq3A_290 : vector<256x128xf32>
    %jit3A_292 = arith.constant 1073741824 : i32
    %broadcast_in_dim3A_293 = vector.broadcast %jit3A_292 : i32 to vector<256x128xi32>
    %select_n3A_294 = arith.select %eq3A_291, %get3A_4, %broadcast_in_dim3A_293 : vector<256x128xi1>, vector<256x128xi32>
    %reduce_min3A_295 = arith.constant dense<2147483647> : vector<256xi32>
    %reduce_min3A_296 = vector.multi_reduction <minsi>, %select_n3A_294, %reduce_min3A_295 [1] : vector<256x128xi32> to vector<256xi32>
    %broadcast_in_dim3A_297 = vector.shape_cast %reduce_min3A_296 : vector<256xi32> to vector<256x1xi32>
    %eq3A_298 = vector.broadcast %broadcast_in_dim3A_297 : vector<256x1xi32> to vector<256x128xi32>
    %eq3A_299 = arith.cmpi eq, %get3A_4, %eq3A_298 : vector<256x128xi32>
    %and3A_300 = arith.andi %eq3A_291, %eq3A_299 : vector<256x128xi1>
    %jit3A_301 = arith.constant 0xFF800000 : f32
    %broadcast_in_dim3A_302 = vector.broadcast %jit3A_301 : f32 to vector<256x128xf32>
    %select_n3A_303 = arith.select %and3A_300, %broadcast_in_dim3A_302, %select_n3A_286 : vector<256x128xi1>, vector<256x128xf32>
    %reduce_max3A_304 = arith.constant dense<0xFF800000> : vector<256xf32>
    %reduce_max3A_305 = vector.multi_reduction <maximumf>, %select_n3A_303, %reduce_max3A_304 [1] : vector<256x128xf32> to vector<256xf32>
    %broadcast_in_dim3A_306 = vector.shape_cast %reduce_max3A_305 : vector<256xf32> to vector<256x1xf32>
    %eq3A_307 = vector.broadcast %broadcast_in_dim3A_306 : vector<256x1xf32> to vector<256x128xf32>
    %eq3A_308 = arith.cmpf oeq, %select_n3A_303, %eq3A_307 : vector<256x128xf32>
    %jit3A_309 = arith.constant 1073741824 : i32
    %broadcast_in_dim3A_310 = vector.broadcast %jit3A_309 : i32 to vector<256x128xi32>
    %select_n3A_311 = arith.select %eq3A_308, %get3A_4, %broadcast_in_dim3A_310 : vector<256x128xi1>, vector<256x128xi32>
    %reduce_min3A_312 = arith.constant dense<2147483647> : vector<256xi32>
    %reduce_min3A_313 = vector.multi_reduction <minsi>, %select_n3A_311, %reduce_min3A_312 [1] : vector<256x128xi32> to vector<256xi32>
    %broadcast_in_dim3A_314 = vector.shape_cast %reduce_min3A_313 : vector<256xi32> to vector<256x1xi32>
    %eq3A_315 = vector.broadcast %broadcast_in_dim3A_314 : vector<256x1xi32> to vector<256x128xi32>
    %eq3A_316 = arith.cmpi eq, %get3A_4, %eq3A_315 : vector<256x128xi32>
    %and3A_317 = arith.andi %eq3A_308, %eq3A_316 : vector<256x128xi1>
    %jit3A_318 = arith.constant 0xFF800000 : f32
    %broadcast_in_dim3A_319 = vector.broadcast %jit3A_318 : f32 to vector<256x128xf32>
    %select_n3A_320 = arith.select %and3A_317, %broadcast_in_dim3A_319, %select_n3A_303 : vector<256x128xi1>, vector<256x128xf32>
    %reduce_max3A_321 = arith.constant dense<0xFF800000> : vector<256xf32>
    %reduce_max3A_322 = vector.multi_reduction <maximumf>, %select_n3A_320, %reduce_max3A_321 [1] : vector<256x128xf32> to vector<256xf32>
    %broadcast_in_dim3A_323 = vector.shape_cast %reduce_max3A_322 : vector<256xf32> to vector<256x1xf32>
    %eq3A_324 = vector.broadcast %broadcast_in_dim3A_323 : vector<256x1xf32> to vector<256x128xf32>
    %eq3A_325 = arith.cmpf oeq, %select_n3A_320, %eq3A_324 : vector<256x128xf32>
    %jit3A_326 = arith.constant 1073741824 : i32
    %broadcast_in_dim3A_327 = vector.broadcast %jit3A_326 : i32 to vector<256x128xi32>
    %select_n3A_328 = arith.select %eq3A_325, %get3A_4, %broadcast_in_dim3A_327 : vector<256x128xi1>, vector<256x128xi32>
    %reduce_min3A_329 = arith.constant dense<2147483647> : vector<256xi32>
    %reduce_min3A_330 = vector.multi_reduction <minsi>, %select_n3A_328, %reduce_min3A_329 [1] : vector<256x128xi32> to vector<256xi32>
    %broadcast_in_dim3A_331 = vector.shape_cast %reduce_min3A_330 : vector<256xi32> to vector<256x1xi32>
    %concatenate3A = tpu.concatenate %broadcast_in_dim3A_9, %broadcast_in_dim3A_25, %broadcast_in_dim3A_42, %broadcast_in_dim3A_59, %broadcast_in_dim3A_76, %broadcast_in_dim3A_93, %broadcast_in_dim3A_110, %broadcast_in_dim3A_127, %broadcast_in_dim3A_144, %broadcast_in_dim3A_161, %broadcast_in_dim3A_178, %broadcast_in_dim3A_195, %broadcast_in_dim3A_212, %broadcast_in_dim3A_229, %broadcast_in_dim3A_246, %broadcast_in_dim3A_263, %broadcast_in_dim3A_280, %broadcast_in_dim3A_297, %broadcast_in_dim3A_314, %broadcast_in_dim3A_331 in 1 : vector<256x1xi32>, vector<256x1xi32>, vector<256x1xi32>, vector<256x1xi32>, vector<256x1xi32>, vector<256x1xi32>, vector<256x1xi32>, vector<256x1xi32>, vector<256x1xi32>, vector<256x1xi32>, vector<256x1xi32>, vector<256x1xi32>, vector<256x1xi32>, vector<256x1xi32>, vector<256x1xi32>, vector<256x1xi32>, vector<256x1xi32>, vector<256x1xi32>, vector<256x1xi32>, vector<256x1xi32> -> vector<256x20xi32>
    %swap3A = arith.constant 0 : index
    %swap3A_332 = arith.constant 0 : index
    %swap3A_333 = vector.load %arg3[%swap3A, %swap3A_332] : memref<256x20xi32, #tpu.memory_space<vmem>>, vector<256x20xi32>
    tpu.vector_store %arg3[%swap3A, %swap3A_332], %concatenate3A {strides = array<i32>} : memref<256x20xi32, #tpu.memory_space<vmem>>, vector<256x20xi32>,
    return
  }
  func.func @transform_0(%arg0: i32) -> (i32, i32) {
    %c0_i32 = arith.constant 0 : i32
    %c0_i32_0 = arith.constant 0 : i32
    return %arg0, %c0_i32 : i32, i32
  }
  func.func @transform_1(%arg0: i32) -> (i32, i32) {
    %c0_i32 = arith.constant 0 : i32
    %c0_i32_0 = arith.constant 0 : i32
    return %arg0, %c0_i32 : i32, i32
  }
  func.func @transform_2(%arg0: i32) -> (i32, i32) {
    %c0_i32 = arith.constant 0 : i32
    %c0_i32_0 = arith.constant 0 : i32
    return %arg0, %c0_i32 : i32, i32
  }
}

module attributes {stable_mosaic.version = 14 : i64} {
  func.func @_topk_lex_body(%arg0: i32, %arg1: memref<256x980xf32, #tpu.memory_space<vmem>>, %arg2: memref<256x980xi32, #tpu.memory_space<vmem>>, %arg3: memref<256x20xi32, #tpu.memory_space<vmem>>) attributes {dimension_semantics = [#tpu.dimension_semantics<arbitrary>], iteration_bounds = array<i64: 4>, scalar_prefetch = 0 : i64, scratch_operands = 0 : i64, tpu.core_type = #tpu.core_type<tc>, window_params = [{transform_indices = @transform_0, window_bounds = array<i64: 256, 980>}, {transform_indices = @transform_1, window_bounds = array<i64: 256, 980>}, {transform_indices = @transform_2, window_bounds = array<i64: 256, 20>}]} {
    %get3A = arith.constant 0 : index
    %get3A_0 = arith.constant 0 : index
    %get3A_1 = vector.load %arg1[%get3A, %get3A_0] : memref<256x980xf32, #tpu.memory_space<vmem>>, vector<256x980xf32>
    %get3A_2 = arith.constant 0 : index
    %get3A_3 = arith.constant 0 : index
    %get3A_4 = vector.load %arg2[%get3A_2, %get3A_3] : memref<256x980xi32, #tpu.memory_space<vmem>>, vector<256x980xi32>
    %reduce_max3A = arith.constant dense<0xFF800000> : vector<256xf32>
    %reduce_max3A_5 = vector.multi_reduction <maximumf>, %get3A_1, %reduce_max3A [1] : vector<256x980xf32> to vector<256xf32>
    %broadcast_in_dim3A = vector.shape_cast %reduce_max3A_5 : vector<256xf32> to vector<256x1xf32>
    %eq3A = vector.broadcast %broadcast_in_dim3A : vector<256x1xf32> to vector<256x980xf32>
    %eq3A_6 = arith.cmpf oeq, %get3A_1, %eq3A : vector<256x980xf32>
    %jit3A = arith.constant 1073741824 : i32
    %broadcast_in_dim3A_7 = vector.broadcast %jit3A : i32 to vector<256x980xi32>
    %select_n3A = arith.select %eq3A_6, %get3A_4, %broadcast_in_dim3A_7 : vector<256x980xi1>, vector<256x980xi32>
    %reduce_min3A = arith.constant dense<2147483647> : vector<256xi32>
    %reduce_min3A_8 = vector.multi_reduction <minsi>, %select_n3A, %reduce_min3A [1] : vector<256x980xi32> to vector<256xi32>
    %broadcast_in_dim3A_9 = vector.shape_cast %reduce_min3A_8 : vector<256xi32> to vector<256x1xi32>
    %eq3A_10 = vector.broadcast %broadcast_in_dim3A_9 : vector<256x1xi32> to vector<256x980xi32>
    %eq3A_11 = arith.cmpi eq, %get3A_4, %eq3A_10 : vector<256x980xi32>
    %and3A = arith.andi %eq3A_6, %eq3A_11 : vector<256x980xi1>
    %jit3A_12 = arith.constant 0xFF800000 : f32
    %broadcast_in_dim3A_13 = vector.broadcast %jit3A_12 : f32 to vector<256x980xf32>
    %select_n3A_14 = arith.select %and3A, %broadcast_in_dim3A_13, %get3A_1 : vector<256x980xi1>, vector<256x980xf32>
    %reduce_max3A_15 = arith.constant dense<0xFF800000> : vector<256xf32>
    %reduce_max3A_16 = vector.multi_reduction <maximumf>, %select_n3A_14, %reduce_max3A_15 [1] : vector<256x980xf32> to vector<256xf32>
    %broadcast_in_dim3A_17 = vector.shape_cast %reduce_max3A_16 : vector<256xf32> to vector<256x1xf32>
    %eq3A_18 = vector.broadcast %broadcast_in_dim3A_17 : vector<256x1xf32> to vector<256x980xf32>
    %eq3A_19 = arith.cmpf oeq, %select_n3A_14, %eq3A_18 : vector<256x980xf32>
    %jit3A_20 = arith.constant 1073741824 : i32
    %broadcast_in_dim3A_21 = vector.broadcast %jit3A_20 : i32 to vector<256x980xi32>
    %select_n3A_22 = arith.select %eq3A_19, %get3A_4, %broadcast_in_dim3A_21 : vector<256x980xi1>, vector<256x980xi32>
    %reduce_min3A_23 = arith.constant dense<2147483647> : vector<256xi32>
    %reduce_min3A_24 = vector.multi_reduction <minsi>, %select_n3A_22, %reduce_min3A_23 [1] : vector<256x980xi32> to vector<256xi32>
    %broadcast_in_dim3A_25 = vector.shape_cast %reduce_min3A_24 : vector<256xi32> to vector<256x1xi32>
    %eq3A_26 = vector.broadcast %broadcast_in_dim3A_25 : vector<256x1xi32> to vector<256x980xi32>
    %eq3A_27 = arith.cmpi eq, %get3A_4, %eq3A_26 : vector<256x980xi32>
    %and3A_28 = arith.andi %eq3A_19, %eq3A_27 : vector<256x980xi1>
    %jit3A_29 = arith.constant 0xFF800000 : f32
    %broadcast_in_dim3A_30 = vector.broadcast %jit3A_29 : f32 to vector<256x980xf32>
    %select_n3A_31 = arith.select %and3A_28, %broadcast_in_dim3A_30, %select_n3A_14 : vector<256x980xi1>, vector<256x980xf32>
    %reduce_max3A_32 = arith.constant dense<0xFF800000> : vector<256xf32>
    %reduce_max3A_33 = vector.multi_reduction <maximumf>, %select_n3A_31, %reduce_max3A_32 [1] : vector<256x980xf32> to vector<256xf32>
    %broadcast_in_dim3A_34 = vector.shape_cast %reduce_max3A_33 : vector<256xf32> to vector<256x1xf32>
    %eq3A_35 = vector.broadcast %broadcast_in_dim3A_34 : vector<256x1xf32> to vector<256x980xf32>
    %eq3A_36 = arith.cmpf oeq, %select_n3A_31, %eq3A_35 : vector<256x980xf32>
    %jit3A_37 = arith.constant 1073741824 : i32
    %broadcast_in_dim3A_38 = vector.broadcast %jit3A_37 : i32 to vector<256x980xi32>
    %select_n3A_39 = arith.select %eq3A_36, %get3A_4, %broadcast_in_dim3A_38 : vector<256x980xi1>, vector<256x980xi32>
    %reduce_min3A_40 = arith.constant dense<2147483647> : vector<256xi32>
    %reduce_min3A_41 = vector.multi_reduction <minsi>, %select_n3A_39, %reduce_min3A_40 [1] : vector<256x980xi32> to vector<256xi32>
    %broadcast_in_dim3A_42 = vector.shape_cast %reduce_min3A_41 : vector<256xi32> to vector<256x1xi32>
    %eq3A_43 = vector.broadcast %broadcast_in_dim3A_42 : vector<256x1xi32> to vector<256x980xi32>
    %eq3A_44 = arith.cmpi eq, %get3A_4, %eq3A_43 : vector<256x980xi32>
    %and3A_45 = arith.andi %eq3A_36, %eq3A_44 : vector<256x980xi1>
    %jit3A_46 = arith.constant 0xFF800000 : f32
    %broadcast_in_dim3A_47 = vector.broadcast %jit3A_46 : f32 to vector<256x980xf32>
    %select_n3A_48 = arith.select %and3A_45, %broadcast_in_dim3A_47, %select_n3A_31 : vector<256x980xi1>, vector<256x980xf32>
    %reduce_max3A_49 = arith.constant dense<0xFF800000> : vector<256xf32>
    %reduce_max3A_50 = vector.multi_reduction <maximumf>, %select_n3A_48, %reduce_max3A_49 [1] : vector<256x980xf32> to vector<256xf32>
    %broadcast_in_dim3A_51 = vector.shape_cast %reduce_max3A_50 : vector<256xf32> to vector<256x1xf32>
    %eq3A_52 = vector.broadcast %broadcast_in_dim3A_51 : vector<256x1xf32> to vector<256x980xf32>
    %eq3A_53 = arith.cmpf oeq, %select_n3A_48, %eq3A_52 : vector<256x980xf32>
    %jit3A_54 = arith.constant 1073741824 : i32
    %broadcast_in_dim3A_55 = vector.broadcast %jit3A_54 : i32 to vector<256x980xi32>
    %select_n3A_56 = arith.select %eq3A_53, %get3A_4, %broadcast_in_dim3A_55 : vector<256x980xi1>, vector<256x980xi32>
    %reduce_min3A_57 = arith.constant dense<2147483647> : vector<256xi32>
    %reduce_min3A_58 = vector.multi_reduction <minsi>, %select_n3A_56, %reduce_min3A_57 [1] : vector<256x980xi32> to vector<256xi32>
    %broadcast_in_dim3A_59 = vector.shape_cast %reduce_min3A_58 : vector<256xi32> to vector<256x1xi32>
    %eq3A_60 = vector.broadcast %broadcast_in_dim3A_59 : vector<256x1xi32> to vector<256x980xi32>
    %eq3A_61 = arith.cmpi eq, %get3A_4, %eq3A_60 : vector<256x980xi32>
    %and3A_62 = arith.andi %eq3A_53, %eq3A_61 : vector<256x980xi1>
    %jit3A_63 = arith.constant 0xFF800000 : f32
    %broadcast_in_dim3A_64 = vector.broadcast %jit3A_63 : f32 to vector<256x980xf32>
    %select_n3A_65 = arith.select %and3A_62, %broadcast_in_dim3A_64, %select_n3A_48 : vector<256x980xi1>, vector<256x980xf32>
    %reduce_max3A_66 = arith.constant dense<0xFF800000> : vector<256xf32>
    %reduce_max3A_67 = vector.multi_reduction <maximumf>, %select_n3A_65, %reduce_max3A_66 [1] : vector<256x980xf32> to vector<256xf32>
    %broadcast_in_dim3A_68 = vector.shape_cast %reduce_max3A_67 : vector<256xf32> to vector<256x1xf32>
    %eq3A_69 = vector.broadcast %broadcast_in_dim3A_68 : vector<256x1xf32> to vector<256x980xf32>
    %eq3A_70 = arith.cmpf oeq, %select_n3A_65, %eq3A_69 : vector<256x980xf32>
    %jit3A_71 = arith.constant 1073741824 : i32
    %broadcast_in_dim3A_72 = vector.broadcast %jit3A_71 : i32 to vector<256x980xi32>
    %select_n3A_73 = arith.select %eq3A_70, %get3A_4, %broadcast_in_dim3A_72 : vector<256x980xi1>, vector<256x980xi32>
    %reduce_min3A_74 = arith.constant dense<2147483647> : vector<256xi32>
    %reduce_min3A_75 = vector.multi_reduction <minsi>, %select_n3A_73, %reduce_min3A_74 [1] : vector<256x980xi32> to vector<256xi32>
    %broadcast_in_dim3A_76 = vector.shape_cast %reduce_min3A_75 : vector<256xi32> to vector<256x1xi32>
    %eq3A_77 = vector.broadcast %broadcast_in_dim3A_76 : vector<256x1xi32> to vector<256x980xi32>
    %eq3A_78 = arith.cmpi eq, %get3A_4, %eq3A_77 : vector<256x980xi32>
    %and3A_79 = arith.andi %eq3A_70, %eq3A_78 : vector<256x980xi1>
    %jit3A_80 = arith.constant 0xFF800000 : f32
    %broadcast_in_dim3A_81 = vector.broadcast %jit3A_80 : f32 to vector<256x980xf32>
    %select_n3A_82 = arith.select %and3A_79, %broadcast_in_dim3A_81, %select_n3A_65 : vector<256x980xi1>, vector<256x980xf32>
    %reduce_max3A_83 = arith.constant dense<0xFF800000> : vector<256xf32>
    %reduce_max3A_84 = vector.multi_reduction <maximumf>, %select_n3A_82, %reduce_max3A_83 [1] : vector<256x980xf32> to vector<256xf32>
    %broadcast_in_dim3A_85 = vector.shape_cast %reduce_max3A_84 : vector<256xf32> to vector<256x1xf32>
    %eq3A_86 = vector.broadcast %broadcast_in_dim3A_85 : vector<256x1xf32> to vector<256x980xf32>
    %eq3A_87 = arith.cmpf oeq, %select_n3A_82, %eq3A_86 : vector<256x980xf32>
    %jit3A_88 = arith.constant 1073741824 : i32
    %broadcast_in_dim3A_89 = vector.broadcast %jit3A_88 : i32 to vector<256x980xi32>
    %select_n3A_90 = arith.select %eq3A_87, %get3A_4, %broadcast_in_dim3A_89 : vector<256x980xi1>, vector<256x980xi32>
    %reduce_min3A_91 = arith.constant dense<2147483647> : vector<256xi32>
    %reduce_min3A_92 = vector.multi_reduction <minsi>, %select_n3A_90, %reduce_min3A_91 [1] : vector<256x980xi32> to vector<256xi32>
    %broadcast_in_dim3A_93 = vector.shape_cast %reduce_min3A_92 : vector<256xi32> to vector<256x1xi32>
    %eq3A_94 = vector.broadcast %broadcast_in_dim3A_93 : vector<256x1xi32> to vector<256x980xi32>
    %eq3A_95 = arith.cmpi eq, %get3A_4, %eq3A_94 : vector<256x980xi32>
    %and3A_96 = arith.andi %eq3A_87, %eq3A_95 : vector<256x980xi1>
    %jit3A_97 = arith.constant 0xFF800000 : f32
    %broadcast_in_dim3A_98 = vector.broadcast %jit3A_97 : f32 to vector<256x980xf32>
    %select_n3A_99 = arith.select %and3A_96, %broadcast_in_dim3A_98, %select_n3A_82 : vector<256x980xi1>, vector<256x980xf32>
    %reduce_max3A_100 = arith.constant dense<0xFF800000> : vector<256xf32>
    %reduce_max3A_101 = vector.multi_reduction <maximumf>, %select_n3A_99, %reduce_max3A_100 [1] : vector<256x980xf32> to vector<256xf32>
    %broadcast_in_dim3A_102 = vector.shape_cast %reduce_max3A_101 : vector<256xf32> to vector<256x1xf32>
    %eq3A_103 = vector.broadcast %broadcast_in_dim3A_102 : vector<256x1xf32> to vector<256x980xf32>
    %eq3A_104 = arith.cmpf oeq, %select_n3A_99, %eq3A_103 : vector<256x980xf32>
    %jit3A_105 = arith.constant 1073741824 : i32
    %broadcast_in_dim3A_106 = vector.broadcast %jit3A_105 : i32 to vector<256x980xi32>
    %select_n3A_107 = arith.select %eq3A_104, %get3A_4, %broadcast_in_dim3A_106 : vector<256x980xi1>, vector<256x980xi32>
    %reduce_min3A_108 = arith.constant dense<2147483647> : vector<256xi32>
    %reduce_min3A_109 = vector.multi_reduction <minsi>, %select_n3A_107, %reduce_min3A_108 [1] : vector<256x980xi32> to vector<256xi32>
    %broadcast_in_dim3A_110 = vector.shape_cast %reduce_min3A_109 : vector<256xi32> to vector<256x1xi32>
    %eq3A_111 = vector.broadcast %broadcast_in_dim3A_110 : vector<256x1xi32> to vector<256x980xi32>
    %eq3A_112 = arith.cmpi eq, %get3A_4, %eq3A_111 : vector<256x980xi32>
    %and3A_113 = arith.andi %eq3A_104, %eq3A_112 : vector<256x980xi1>
    %jit3A_114 = arith.constant 0xFF800000 : f32
    %broadcast_in_dim3A_115 = vector.broadcast %jit3A_114 : f32 to vector<256x980xf32>
    %select_n3A_116 = arith.select %and3A_113, %broadcast_in_dim3A_115, %select_n3A_99 : vector<256x980xi1>, vector<256x980xf32>
    %reduce_max3A_117 = arith.constant dense<0xFF800000> : vector<256xf32>
    %reduce_max3A_118 = vector.multi_reduction <maximumf>, %select_n3A_116, %reduce_max3A_117 [1] : vector<256x980xf32> to vector<256xf32>
    %broadcast_in_dim3A_119 = vector.shape_cast %reduce_max3A_118 : vector<256xf32> to vector<256x1xf32>
    %eq3A_120 = vector.broadcast %broadcast_in_dim3A_119 : vector<256x1xf32> to vector<256x980xf32>
    %eq3A_121 = arith.cmpf oeq, %select_n3A_116, %eq3A_120 : vector<256x980xf32>
    %jit3A_122 = arith.constant 1073741824 : i32
    %broadcast_in_dim3A_123 = vector.broadcast %jit3A_122 : i32 to vector<256x980xi32>
    %select_n3A_124 = arith.select %eq3A_121, %get3A_4, %broadcast_in_dim3A_123 : vector<256x980xi1>, vector<256x980xi32>
    %reduce_min3A_125 = arith.constant dense<2147483647> : vector<256xi32>
    %reduce_min3A_126 = vector.multi_reduction <minsi>, %select_n3A_124, %reduce_min3A_125 [1] : vector<256x980xi32> to vector<256xi32>
    %broadcast_in_dim3A_127 = vector.shape_cast %reduce_min3A_126 : vector<256xi32> to vector<256x1xi32>
    %eq3A_128 = vector.broadcast %broadcast_in_dim3A_127 : vector<256x1xi32> to vector<256x980xi32>
    %eq3A_129 = arith.cmpi eq, %get3A_4, %eq3A_128 : vector<256x980xi32>
    %and3A_130 = arith.andi %eq3A_121, %eq3A_129 : vector<256x980xi1>
    %jit3A_131 = arith.constant 0xFF800000 : f32
    %broadcast_in_dim3A_132 = vector.broadcast %jit3A_131 : f32 to vector<256x980xf32>
    %select_n3A_133 = arith.select %and3A_130, %broadcast_in_dim3A_132, %select_n3A_116 : vector<256x980xi1>, vector<256x980xf32>
    %reduce_max3A_134 = arith.constant dense<0xFF800000> : vector<256xf32>
    %reduce_max3A_135 = vector.multi_reduction <maximumf>, %select_n3A_133, %reduce_max3A_134 [1] : vector<256x980xf32> to vector<256xf32>
    %broadcast_in_dim3A_136 = vector.shape_cast %reduce_max3A_135 : vector<256xf32> to vector<256x1xf32>
    %eq3A_137 = vector.broadcast %broadcast_in_dim3A_136 : vector<256x1xf32> to vector<256x980xf32>
    %eq3A_138 = arith.cmpf oeq, %select_n3A_133, %eq3A_137 : vector<256x980xf32>
    %jit3A_139 = arith.constant 1073741824 : i32
    %broadcast_in_dim3A_140 = vector.broadcast %jit3A_139 : i32 to vector<256x980xi32>
    %select_n3A_141 = arith.select %eq3A_138, %get3A_4, %broadcast_in_dim3A_140 : vector<256x980xi1>, vector<256x980xi32>
    %reduce_min3A_142 = arith.constant dense<2147483647> : vector<256xi32>
    %reduce_min3A_143 = vector.multi_reduction <minsi>, %select_n3A_141, %reduce_min3A_142 [1] : vector<256x980xi32> to vector<256xi32>
    %broadcast_in_dim3A_144 = vector.shape_cast %reduce_min3A_143 : vector<256xi32> to vector<256x1xi32>
    %eq3A_145 = vector.broadcast %broadcast_in_dim3A_144 : vector<256x1xi32> to vector<256x980xi32>
    %eq3A_146 = arith.cmpi eq, %get3A_4, %eq3A_145 : vector<256x980xi32>
    %and3A_147 = arith.andi %eq3A_138, %eq3A_146 : vector<256x980xi1>
    %jit3A_148 = arith.constant 0xFF800000 : f32
    %broadcast_in_dim3A_149 = vector.broadcast %jit3A_148 : f32 to vector<256x980xf32>
    %select_n3A_150 = arith.select %and3A_147, %broadcast_in_dim3A_149, %select_n3A_133 : vector<256x980xi1>, vector<256x980xf32>
    %reduce_max3A_151 = arith.constant dense<0xFF800000> : vector<256xf32>
    %reduce_max3A_152 = vector.multi_reduction <maximumf>, %select_n3A_150, %reduce_max3A_151 [1] : vector<256x980xf32> to vector<256xf32>
    %broadcast_in_dim3A_153 = vector.shape_cast %reduce_max3A_152 : vector<256xf32> to vector<256x1xf32>
    %eq3A_154 = vector.broadcast %broadcast_in_dim3A_153 : vector<256x1xf32> to vector<256x980xf32>
    %eq3A_155 = arith.cmpf oeq, %select_n3A_150, %eq3A_154 : vector<256x980xf32>
    %jit3A_156 = arith.constant 1073741824 : i32
    %broadcast_in_dim3A_157 = vector.broadcast %jit3A_156 : i32 to vector<256x980xi32>
    %select_n3A_158 = arith.select %eq3A_155, %get3A_4, %broadcast_in_dim3A_157 : vector<256x980xi1>, vector<256x980xi32>
    %reduce_min3A_159 = arith.constant dense<2147483647> : vector<256xi32>
    %reduce_min3A_160 = vector.multi_reduction <minsi>, %select_n3A_158, %reduce_min3A_159 [1] : vector<256x980xi32> to vector<256xi32>
    %broadcast_in_dim3A_161 = vector.shape_cast %reduce_min3A_160 : vector<256xi32> to vector<256x1xi32>
    %eq3A_162 = vector.broadcast %broadcast_in_dim3A_161 : vector<256x1xi32> to vector<256x980xi32>
    %eq3A_163 = arith.cmpi eq, %get3A_4, %eq3A_162 : vector<256x980xi32>
    %and3A_164 = arith.andi %eq3A_155, %eq3A_163 : vector<256x980xi1>
    %jit3A_165 = arith.constant 0xFF800000 : f32
    %broadcast_in_dim3A_166 = vector.broadcast %jit3A_165 : f32 to vector<256x980xf32>
    %select_n3A_167 = arith.select %and3A_164, %broadcast_in_dim3A_166, %select_n3A_150 : vector<256x980xi1>, vector<256x980xf32>
    %reduce_max3A_168 = arith.constant dense<0xFF800000> : vector<256xf32>
    %reduce_max3A_169 = vector.multi_reduction <maximumf>, %select_n3A_167, %reduce_max3A_168 [1] : vector<256x980xf32> to vector<256xf32>
    %broadcast_in_dim3A_170 = vector.shape_cast %reduce_max3A_169 : vector<256xf32> to vector<256x1xf32>
    %eq3A_171 = vector.broadcast %broadcast_in_dim3A_170 : vector<256x1xf32> to vector<256x980xf32>
    %eq3A_172 = arith.cmpf oeq, %select_n3A_167, %eq3A_171 : vector<256x980xf32>
    %jit3A_173 = arith.constant 1073741824 : i32
    %broadcast_in_dim3A_174 = vector.broadcast %jit3A_173 : i32 to vector<256x980xi32>
    %select_n3A_175 = arith.select %eq3A_172, %get3A_4, %broadcast_in_dim3A_174 : vector<256x980xi1>, vector<256x980xi32>
    %reduce_min3A_176 = arith.constant dense<2147483647> : vector<256xi32>
    %reduce_min3A_177 = vector.multi_reduction <minsi>, %select_n3A_175, %reduce_min3A_176 [1] : vector<256x980xi32> to vector<256xi32>
    %broadcast_in_dim3A_178 = vector.shape_cast %reduce_min3A_177 : vector<256xi32> to vector<256x1xi32>
    %eq3A_179 = vector.broadcast %broadcast_in_dim3A_178 : vector<256x1xi32> to vector<256x980xi32>
    %eq3A_180 = arith.cmpi eq, %get3A_4, %eq3A_179 : vector<256x980xi32>
    %and3A_181 = arith.andi %eq3A_172, %eq3A_180 : vector<256x980xi1>
    %jit3A_182 = arith.constant 0xFF800000 : f32
    %broadcast_in_dim3A_183 = vector.broadcast %jit3A_182 : f32 to vector<256x980xf32>
    %select_n3A_184 = arith.select %and3A_181, %broadcast_in_dim3A_183, %select_n3A_167 : vector<256x980xi1>, vector<256x980xf32>
    %reduce_max3A_185 = arith.constant dense<0xFF800000> : vector<256xf32>
    %reduce_max3A_186 = vector.multi_reduction <maximumf>, %select_n3A_184, %reduce_max3A_185 [1] : vector<256x980xf32> to vector<256xf32>
    %broadcast_in_dim3A_187 = vector.shape_cast %reduce_max3A_186 : vector<256xf32> to vector<256x1xf32>
    %eq3A_188 = vector.broadcast %broadcast_in_dim3A_187 : vector<256x1xf32> to vector<256x980xf32>
    %eq3A_189 = arith.cmpf oeq, %select_n3A_184, %eq3A_188 : vector<256x980xf32>
    %jit3A_190 = arith.constant 1073741824 : i32
    %broadcast_in_dim3A_191 = vector.broadcast %jit3A_190 : i32 to vector<256x980xi32>
    %select_n3A_192 = arith.select %eq3A_189, %get3A_4, %broadcast_in_dim3A_191 : vector<256x980xi1>, vector<256x980xi32>
    %reduce_min3A_193 = arith.constant dense<2147483647> : vector<256xi32>
    %reduce_min3A_194 = vector.multi_reduction <minsi>, %select_n3A_192, %reduce_min3A_193 [1] : vector<256x980xi32> to vector<256xi32>
    %broadcast_in_dim3A_195 = vector.shape_cast %reduce_min3A_194 : vector<256xi32> to vector<256x1xi32>
    %eq3A_196 = vector.broadcast %broadcast_in_dim3A_195 : vector<256x1xi32> to vector<256x980xi32>
    %eq3A_197 = arith.cmpi eq, %get3A_4, %eq3A_196 : vector<256x980xi32>
    %and3A_198 = arith.andi %eq3A_189, %eq3A_197 : vector<256x980xi1>
    %jit3A_199 = arith.constant 0xFF800000 : f32
    %broadcast_in_dim3A_200 = vector.broadcast %jit3A_199 : f32 to vector<256x980xf32>
    %select_n3A_201 = arith.select %and3A_198, %broadcast_in_dim3A_200, %select_n3A_184 : vector<256x980xi1>, vector<256x980xf32>
    %reduce_max3A_202 = arith.constant dense<0xFF800000> : vector<256xf32>
    %reduce_max3A_203 = vector.multi_reduction <maximumf>, %select_n3A_201, %reduce_max3A_202 [1] : vector<256x980xf32> to vector<256xf32>
    %broadcast_in_dim3A_204 = vector.shape_cast %reduce_max3A_203 : vector<256xf32> to vector<256x1xf32>
    %eq3A_205 = vector.broadcast %broadcast_in_dim3A_204 : vector<256x1xf32> to vector<256x980xf32>
    %eq3A_206 = arith.cmpf oeq, %select_n3A_201, %eq3A_205 : vector<256x980xf32>
    %jit3A_207 = arith.constant 1073741824 : i32
    %broadcast_in_dim3A_208 = vector.broadcast %jit3A_207 : i32 to vector<256x980xi32>
    %select_n3A_209 = arith.select %eq3A_206, %get3A_4, %broadcast_in_dim3A_208 : vector<256x980xi1>, vector<256x980xi32>
    %reduce_min3A_210 = arith.constant dense<2147483647> : vector<256xi32>
    %reduce_min3A_211 = vector.multi_reduction <minsi>, %select_n3A_209, %reduce_min3A_210 [1] : vector<256x980xi32> to vector<256xi32>
    %broadcast_in_dim3A_212 = vector.shape_cast %reduce_min3A_211 : vector<256xi32> to vector<256x1xi32>
    %eq3A_213 = vector.broadcast %broadcast_in_dim3A_212 : vector<256x1xi32> to vector<256x980xi32>
    %eq3A_214 = arith.cmpi eq, %get3A_4, %eq3A_213 : vector<256x980xi32>
    %and3A_215 = arith.andi %eq3A_206, %eq3A_214 : vector<256x980xi1>
    %jit3A_216 = arith.constant 0xFF800000 : f32
    %broadcast_in_dim3A_217 = vector.broadcast %jit3A_216 : f32 to vector<256x980xf32>
    %select_n3A_218 = arith.select %and3A_215, %broadcast_in_dim3A_217, %select_n3A_201 : vector<256x980xi1>, vector<256x980xf32>
    %reduce_max3A_219 = arith.constant dense<0xFF800000> : vector<256xf32>
    %reduce_max3A_220 = vector.multi_reduction <maximumf>, %select_n3A_218, %reduce_max3A_219 [1] : vector<256x980xf32> to vector<256xf32>
    %broadcast_in_dim3A_221 = vector.shape_cast %reduce_max3A_220 : vector<256xf32> to vector<256x1xf32>
    %eq3A_222 = vector.broadcast %broadcast_in_dim3A_221 : vector<256x1xf32> to vector<256x980xf32>
    %eq3A_223 = arith.cmpf oeq, %select_n3A_218, %eq3A_222 : vector<256x980xf32>
    %jit3A_224 = arith.constant 1073741824 : i32
    %broadcast_in_dim3A_225 = vector.broadcast %jit3A_224 : i32 to vector<256x980xi32>
    %select_n3A_226 = arith.select %eq3A_223, %get3A_4, %broadcast_in_dim3A_225 : vector<256x980xi1>, vector<256x980xi32>
    %reduce_min3A_227 = arith.constant dense<2147483647> : vector<256xi32>
    %reduce_min3A_228 = vector.multi_reduction <minsi>, %select_n3A_226, %reduce_min3A_227 [1] : vector<256x980xi32> to vector<256xi32>
    %broadcast_in_dim3A_229 = vector.shape_cast %reduce_min3A_228 : vector<256xi32> to vector<256x1xi32>
    %eq3A_230 = vector.broadcast %broadcast_in_dim3A_229 : vector<256x1xi32> to vector<256x980xi32>
    %eq3A_231 = arith.cmpi eq, %get3A_4, %eq3A_230 : vector<256x980xi32>
    %and3A_232 = arith.andi %eq3A_223, %eq3A_231 : vector<256x980xi1>
    %jit3A_233 = arith.constant 0xFF800000 : f32
    %broadcast_in_dim3A_234 = vector.broadcast %jit3A_233 : f32 to vector<256x980xf32>
    %select_n3A_235 = arith.select %and3A_232, %broadcast_in_dim3A_234, %select_n3A_218 : vector<256x980xi1>, vector<256x980xf32>
    %reduce_max3A_236 = arith.constant dense<0xFF800000> : vector<256xf32>
    %reduce_max3A_237 = vector.multi_reduction <maximumf>, %select_n3A_235, %reduce_max3A_236 [1] : vector<256x980xf32> to vector<256xf32>
    %broadcast_in_dim3A_238 = vector.shape_cast %reduce_max3A_237 : vector<256xf32> to vector<256x1xf32>
    %eq3A_239 = vector.broadcast %broadcast_in_dim3A_238 : vector<256x1xf32> to vector<256x980xf32>
    %eq3A_240 = arith.cmpf oeq, %select_n3A_235, %eq3A_239 : vector<256x980xf32>
    %jit3A_241 = arith.constant 1073741824 : i32
    %broadcast_in_dim3A_242 = vector.broadcast %jit3A_241 : i32 to vector<256x980xi32>
    %select_n3A_243 = arith.select %eq3A_240, %get3A_4, %broadcast_in_dim3A_242 : vector<256x980xi1>, vector<256x980xi32>
    %reduce_min3A_244 = arith.constant dense<2147483647> : vector<256xi32>
    %reduce_min3A_245 = vector.multi_reduction <minsi>, %select_n3A_243, %reduce_min3A_244 [1] : vector<256x980xi32> to vector<256xi32>
    %broadcast_in_dim3A_246 = vector.shape_cast %reduce_min3A_245 : vector<256xi32> to vector<256x1xi32>
    %eq3A_247 = vector.broadcast %broadcast_in_dim3A_246 : vector<256x1xi32> to vector<256x980xi32>
    %eq3A_248 = arith.cmpi eq, %get3A_4, %eq3A_247 : vector<256x980xi32>
    %and3A_249 = arith.andi %eq3A_240, %eq3A_248 : vector<256x980xi1>
    %jit3A_250 = arith.constant 0xFF800000 : f32
    %broadcast_in_dim3A_251 = vector.broadcast %jit3A_250 : f32 to vector<256x980xf32>
    %select_n3A_252 = arith.select %and3A_249, %broadcast_in_dim3A_251, %select_n3A_235 : vector<256x980xi1>, vector<256x980xf32>
    %reduce_max3A_253 = arith.constant dense<0xFF800000> : vector<256xf32>
    %reduce_max3A_254 = vector.multi_reduction <maximumf>, %select_n3A_252, %reduce_max3A_253 [1] : vector<256x980xf32> to vector<256xf32>
    %broadcast_in_dim3A_255 = vector.shape_cast %reduce_max3A_254 : vector<256xf32> to vector<256x1xf32>
    %eq3A_256 = vector.broadcast %broadcast_in_dim3A_255 : vector<256x1xf32> to vector<256x980xf32>
    %eq3A_257 = arith.cmpf oeq, %select_n3A_252, %eq3A_256 : vector<256x980xf32>
    %jit3A_258 = arith.constant 1073741824 : i32
    %broadcast_in_dim3A_259 = vector.broadcast %jit3A_258 : i32 to vector<256x980xi32>
    %select_n3A_260 = arith.select %eq3A_257, %get3A_4, %broadcast_in_dim3A_259 : vector<256x980xi1>, vector<256x980xi32>
    %reduce_min3A_261 = arith.constant dense<2147483647> : vector<256xi32>
    %reduce_min3A_262 = vector.multi_reduction <minsi>, %select_n3A_260, %reduce_min3A_261 [1] : vector<256x980xi32> to vector<256xi32>
    %broadcast_in_dim3A_263 = vector.shape_cast %reduce_min3A_262 : vector<256xi32> to vector<256x1xi32>
    %eq3A_264 = vector.broadcast %broadcast_in_dim3A_263 : vector<256x1xi32> to vector<256x980xi32>
    %eq3A_265 = arith.cmpi eq, %get3A_4, %eq3A_264 : vector<256x980xi32>
    %and3A_266 = arith.andi %eq3A_257, %eq3A_265 : vector<256x980xi1>
    %jit3A_267 = arith.constant 0xFF800000 : f32
    %broadcast_in_dim3A_268 = vector.broadcast %jit3A_267 : f32 to vector<256x980xf32>
    %select_n3A_269 = arith.select %and3A_266, %broadcast_in_dim3A_268, %select_n3A_252 : vector<256x980xi1>, vector<256x980xf32>
    %reduce_max3A_270 = arith.constant dense<0xFF800000> : vector<256xf32>
    %reduce_max3A_271 = vector.multi_reduction <maximumf>, %select_n3A_269, %reduce_max3A_270 [1] : vector<256x980xf32> to vector<256xf32>
    %broadcast_in_dim3A_272 = vector.shape_cast %reduce_max3A_271 : vector<256xf32> to vector<256x1xf32>
    %eq3A_273 = vector.broadcast %broadcast_in_dim3A_272 : vector<256x1xf32> to vector<256x980xf32>
    %eq3A_274 = arith.cmpf oeq, %select_n3A_269, %eq3A_273 : vector<256x980xf32>
    %jit3A_275 = arith.constant 1073741824 : i32
    %broadcast_in_dim3A_276 = vector.broadcast %jit3A_275 : i32 to vector<256x980xi32>
    %select_n3A_277 = arith.select %eq3A_274, %get3A_4, %broadcast_in_dim3A_276 : vector<256x980xi1>, vector<256x980xi32>
    %reduce_min3A_278 = arith.constant dense<2147483647> : vector<256xi32>
    %reduce_min3A_279 = vector.multi_reduction <minsi>, %select_n3A_277, %reduce_min3A_278 [1] : vector<256x980xi32> to vector<256xi32>
    %broadcast_in_dim3A_280 = vector.shape_cast %reduce_min3A_279 : vector<256xi32> to vector<256x1xi32>
    %eq3A_281 = vector.broadcast %broadcast_in_dim3A_280 : vector<256x1xi32> to vector<256x980xi32>
    %eq3A_282 = arith.cmpi eq, %get3A_4, %eq3A_281 : vector<256x980xi32>
    %and3A_283 = arith.andi %eq3A_274, %eq3A_282 : vector<256x980xi1>
    %jit3A_284 = arith.constant 0xFF800000 : f32
    %broadcast_in_dim3A_285 = vector.broadcast %jit3A_284 : f32 to vector<256x980xf32>
    %select_n3A_286 = arith.select %and3A_283, %broadcast_in_dim3A_285, %select_n3A_269 : vector<256x980xi1>, vector<256x980xf32>
    %reduce_max3A_287 = arith.constant dense<0xFF800000> : vector<256xf32>
    %reduce_max3A_288 = vector.multi_reduction <maximumf>, %select_n3A_286, %reduce_max3A_287 [1] : vector<256x980xf32> to vector<256xf32>
    %broadcast_in_dim3A_289 = vector.shape_cast %reduce_max3A_288 : vector<256xf32> to vector<256x1xf32>
    %eq3A_290 = vector.broadcast %broadcast_in_dim3A_289 : vector<256x1xf32> to vector<256x980xf32>
    %eq3A_291 = arith.cmpf oeq, %select_n3A_286, %eq3A_290 : vector<256x980xf32>
    %jit3A_292 = arith.constant 1073741824 : i32
    %broadcast_in_dim3A_293 = vector.broadcast %jit3A_292 : i32 to vector<256x980xi32>
    %select_n3A_294 = arith.select %eq3A_291, %get3A_4, %broadcast_in_dim3A_293 : vector<256x980xi1>, vector<256x980xi32>
    %reduce_min3A_295 = arith.constant dense<2147483647> : vector<256xi32>
    %reduce_min3A_296 = vector.multi_reduction <minsi>, %select_n3A_294, %reduce_min3A_295 [1] : vector<256x980xi32> to vector<256xi32>
    %broadcast_in_dim3A_297 = vector.shape_cast %reduce_min3A_296 : vector<256xi32> to vector<256x1xi32>
    %eq3A_298 = vector.broadcast %broadcast_in_dim3A_297 : vector<256x1xi32> to vector<256x980xi32>
    %eq3A_299 = arith.cmpi eq, %get3A_4, %eq3A_298 : vector<256x980xi32>
    %and3A_300 = arith.andi %eq3A_291, %eq3A_299 : vector<256x980xi1>
    %jit3A_301 = arith.constant 0xFF800000 : f32
    %broadcast_in_dim3A_302 = vector.broadcast %jit3A_301 : f32 to vector<256x980xf32>
    %select_n3A_303 = arith.select %and3A_300, %broadcast_in_dim3A_302, %select_n3A_286 : vector<256x980xi1>, vector<256x980xf32>
    %reduce_max3A_304 = arith.constant dense<0xFF800000> : vector<256xf32>
    %reduce_max3A_305 = vector.multi_reduction <maximumf>, %select_n3A_303, %reduce_max3A_304 [1] : vector<256x980xf32> to vector<256xf32>
    %broadcast_in_dim3A_306 = vector.shape_cast %reduce_max3A_305 : vector<256xf32> to vector<256x1xf32>
    %eq3A_307 = vector.broadcast %broadcast_in_dim3A_306 : vector<256x1xf32> to vector<256x980xf32>
    %eq3A_308 = arith.cmpf oeq, %select_n3A_303, %eq3A_307 : vector<256x980xf32>
    %jit3A_309 = arith.constant 1073741824 : i32
    %broadcast_in_dim3A_310 = vector.broadcast %jit3A_309 : i32 to vector<256x980xi32>
    %select_n3A_311 = arith.select %eq3A_308, %get3A_4, %broadcast_in_dim3A_310 : vector<256x980xi1>, vector<256x980xi32>
    %reduce_min3A_312 = arith.constant dense<2147483647> : vector<256xi32>
    %reduce_min3A_313 = vector.multi_reduction <minsi>, %select_n3A_311, %reduce_min3A_312 [1] : vector<256x980xi32> to vector<256xi32>
    %broadcast_in_dim3A_314 = vector.shape_cast %reduce_min3A_313 : vector<256xi32> to vector<256x1xi32>
    %eq3A_315 = vector.broadcast %broadcast_in_dim3A_314 : vector<256x1xi32> to vector<256x980xi32>
    %eq3A_316 = arith.cmpi eq, %get3A_4, %eq3A_315 : vector<256x980xi32>
    %and3A_317 = arith.andi %eq3A_308, %eq3A_316 : vector<256x980xi1>
    %jit3A_318 = arith.constant 0xFF800000 : f32
    %broadcast_in_dim3A_319 = vector.broadcast %jit3A_318 : f32 to vector<256x980xf32>
    %select_n3A_320 = arith.select %and3A_317, %broadcast_in_dim3A_319, %select_n3A_303 : vector<256x980xi1>, vector<256x980xf32>
    %reduce_max3A_321 = arith.constant dense<0xFF800000> : vector<256xf32>
    %reduce_max3A_322 = vector.multi_reduction <maximumf>, %select_n3A_320, %reduce_max3A_321 [1] : vector<256x980xf32> to vector<256xf32>
    %broadcast_in_dim3A_323 = vector.shape_cast %reduce_max3A_322 : vector<256xf32> to vector<256x1xf32>
    %eq3A_324 = vector.broadcast %broadcast_in_dim3A_323 : vector<256x1xf32> to vector<256x980xf32>
    %eq3A_325 = arith.cmpf oeq, %select_n3A_320, %eq3A_324 : vector<256x980xf32>
    %jit3A_326 = arith.constant 1073741824 : i32
    %broadcast_in_dim3A_327 = vector.broadcast %jit3A_326 : i32 to vector<256x980xi32>
    %select_n3A_328 = arith.select %eq3A_325, %get3A_4, %broadcast_in_dim3A_327 : vector<256x980xi1>, vector<256x980xi32>
    %reduce_min3A_329 = arith.constant dense<2147483647> : vector<256xi32>
    %reduce_min3A_330 = vector.multi_reduction <minsi>, %select_n3A_328, %reduce_min3A_329 [1] : vector<256x980xi32> to vector<256xi32>
    %broadcast_in_dim3A_331 = vector.shape_cast %reduce_min3A_330 : vector<256xi32> to vector<256x1xi32>
    %concatenate3A = tpu.concatenate %broadcast_in_dim3A_9, %broadcast_in_dim3A_25, %broadcast_in_dim3A_42, %broadcast_in_dim3A_59, %broadcast_in_dim3A_76, %broadcast_in_dim3A_93, %broadcast_in_dim3A_110, %broadcast_in_dim3A_127, %broadcast_in_dim3A_144, %broadcast_in_dim3A_161, %broadcast_in_dim3A_178, %broadcast_in_dim3A_195, %broadcast_in_dim3A_212, %broadcast_in_dim3A_229, %broadcast_in_dim3A_246, %broadcast_in_dim3A_263, %broadcast_in_dim3A_280, %broadcast_in_dim3A_297, %broadcast_in_dim3A_314, %broadcast_in_dim3A_331 in 1 : vector<256x1xi32>, vector<256x1xi32>, vector<256x1xi32>, vector<256x1xi32>, vector<256x1xi32>, vector<256x1xi32>, vector<256x1xi32>, vector<256x1xi32>, vector<256x1xi32>, vector<256x1xi32>, vector<256x1xi32>, vector<256x1xi32>, vector<256x1xi32>, vector<256x1xi32>, vector<256x1xi32>, vector<256x1xi32>, vector<256x1xi32>, vector<256x1xi32>, vector<256x1xi32>, vector<256x1xi32> -> vector<256x20xi32>
    %swap3A = arith.constant 0 : index
    %swap3A_332 = arith.constant 0 : index
    %swap3A_333 = vector.load %arg3[%swap3A, %swap3A_332] : memref<256x20xi32, #tpu.memory_space<vmem>>, vector<256x20xi32>
    tpu.vector_store %arg3[%swap3A, %swap3A_332], %concatenate3A {strides = array<i32>} : memref<256x20xi32, #tpu.memory_space<vmem>>, vector<256x20xi32>,
    return
  }
  func.func @transform_0(%arg0: i32) -> (i32, i32) {
    %c0_i32 = arith.constant 0 : i32
    %c0_i32_0 = arith.constant 0 : i32
    return %arg0, %c0_i32 : i32, i32
  }
  func.func @transform_1(%arg0: i32) -> (i32, i32) {
    %c0_i32 = arith.constant 0 : i32
    %c0_i32_0 = arith.constant 0 : i32
    return %arg0, %c0_i32 : i32, i32
  }
  func.func @transform_2(%arg0: i32) -> (i32, i32) {
    %c0_i32 = arith.constant 0 : i32
    %c0_i32_0 = arith.constant 0 : i32
    return %arg0, %c0_i32 : i32, i32
  }
}

module attributes {stable_mosaic.version = 14 : i64} {
  func.func @_rescore_body(%arg0: i32, %arg1: memref<16x16xf32, #tpu.memory_space<vmem>>, %arg2: memref<5120x16xf32, #tpu.memory_space<vmem>>, %arg3: memref<16x320xf32, #tpu.memory_space<vmem>>) attributes {dimension_semantics = [#tpu.dimension_semantics<arbitrary>], iteration_bounds = array<i64: 64>, scalar_prefetch = 0 : i64, scratch_operands = 0 : i64, tpu.core_type = #tpu.core_type<tc>, window_params = [{transform_indices = @transform_0, window_bounds = array<i64: 16, 16>}, {transform_indices = @transform_1, window_bounds = array<i64: 5120, 16>}, {transform_indices = @transform_2, window_bounds = array<i64: 16, 320>}]} {
    %get3A = arith.constant 0 : index
    %get3A_0 = arith.constant 0 : index
    %get3A_1 = vector.load %arg1[%get3A, %get3A_0] : memref<16x16xf32, #tpu.memory_space<vmem>>, vector<16x16xf32>
    %get3A_2 = arith.constant 0 : index
    %get3A_3 = arith.constant 0 : index
    %get3A_4 = vector.load %arg2[%get3A_2, %get3A_3] : memref<5120x16xf32, #tpu.memory_space<vmem>>, vector<5120x16xf32>
    %dot_general3A = arith.constant dense<0.000000e+00> : vector<16x5120xf32>
    %dot_general3A_5 = tpu.matmul %get3A_1, %get3A_4, %dot_general3A {dimension_numbers = #tpu.dot_dimension_numbers<[1], [1], [0], [0], [0, 0, 1, 0], [], []>, transpose_lhs_hint = false} : vector<16x16xf32>, vector<5120x16xf32>, vector<16x5120xf32> -> vector<16x5120xf32>
    %slice3A = vector.extract_strided_slice %dot_general3A_5 {offsets = [0, 0], sizes = [1, 320], strides = [1, 1]} : vector<16x5120xf32> to vector<1x320xf32>
    %slice3A_6 = vector.extract_strided_slice %dot_general3A_5 {offsets = [1, 320], sizes = [1, 320], strides = [1, 1]} : vector<16x5120xf32> to vector<1x320xf32>
    %slice3A_7 = vector.extract_strided_slice %dot_general3A_5 {offsets = [2, 640], sizes = [1, 320], strides = [1, 1]} : vector<16x5120xf32> to vector<1x320xf32>
    %slice3A_8 = vector.extract_strided_slice %dot_general3A_5 {offsets = [3, 960], sizes = [1, 320], strides = [1, 1]} : vector<16x5120xf32> to vector<1x320xf32>
    %slice3A_9 = vector.extract_strided_slice %dot_general3A_5 {offsets = [4, 1280], sizes = [1, 320], strides = [1, 1]} : vector<16x5120xf32> to vector<1x320xf32>
    %slice3A_10 = vector.extract_strided_slice %dot_general3A_5 {offsets = [5, 1600], sizes = [1, 320], strides = [1, 1]} : vector<16x5120xf32> to vector<1x320xf32>
    %slice3A_11 = vector.extract_strided_slice %dot_general3A_5 {offsets = [6, 1920], sizes = [1, 320], strides = [1, 1]} : vector<16x5120xf32> to vector<1x320xf32>
    %slice3A_12 = vector.extract_strided_slice %dot_general3A_5 {offsets = [7, 2240], sizes = [1, 320], strides = [1, 1]} : vector<16x5120xf32> to vector<1x320xf32>
    %slice3A_13 = vector.extract_strided_slice %dot_general3A_5 {offsets = [8, 2560], sizes = [1, 320], strides = [1, 1]} : vector<16x5120xf32> to vector<1x320xf32>
    %slice3A_14 = vector.extract_strided_slice %dot_general3A_5 {offsets = [9, 2880], sizes = [1, 320], strides = [1, 1]} : vector<16x5120xf32> to vector<1x320xf32>
    %slice3A_15 = vector.extract_strided_slice %dot_general3A_5 {offsets = [10, 3200], sizes = [1, 320], strides = [1, 1]} : vector<16x5120xf32> to vector<1x320xf32>
    %slice3A_16 = vector.extract_strided_slice %dot_general3A_5 {offsets = [11, 3520], sizes = [1, 320], strides = [1, 1]} : vector<16x5120xf32> to vector<1x320xf32>
    %slice3A_17 = vector.extract_strided_slice %dot_general3A_5 {offsets = [12, 3840], sizes = [1, 320], strides = [1, 1]} : vector<16x5120xf32> to vector<1x320xf32>
    %slice3A_18 = vector.extract_strided_slice %dot_general3A_5 {offsets = [13, 4160], sizes = [1, 320], strides = [1, 1]} : vector<16x5120xf32> to vector<1x320xf32>
    %slice3A_19 = vector.extract_strided_slice %dot_general3A_5 {offsets = [14, 4480], sizes = [1, 320], strides = [1, 1]} : vector<16x5120xf32> to vector<1x320xf32>
    %slice3A_20 = vector.extract_strided_slice %dot_general3A_5 {offsets = [15, 4800], sizes = [1, 320], strides = [1, 1]} : vector<16x5120xf32> to vector<1x320xf32>
    %concatenate3A = tpu.concatenate %slice3A, %slice3A_6, %slice3A_7, %slice3A_8, %slice3A_9, %slice3A_10, %slice3A_11, %slice3A_12, %slice3A_13, %slice3A_14, %slice3A_15, %slice3A_16, %slice3A_17, %slice3A_18, %slice3A_19, %slice3A_20 in 0 : vector<1x320xf32>, vector<1x320xf32>, vector<1x320xf32>, vector<1x320xf32>, vector<1x320xf32>, vector<1x320xf32>, vector<1x320xf32>, vector<1x320xf32>, vector<1x320xf32>, vector<1x320xf32>, vector<1x320xf32>, vector<1x320xf32>, vector<1x320xf32>, vector<1x320xf32>, vector<1x320xf32>, vector<1x320xf32> -> vector<16x320xf32>
    %swap3A = arith.constant 0 : index
    %swap3A_21 = arith.constant 0 : index
    %swap3A_22 = vector.load %arg3[%swap3A, %swap3A_21] : memref<16x320xf32, #tpu.memory_space<vmem>>, vector<16x320xf32>
    tpu.vector_store %arg3[%swap3A, %swap3A_21], %concatenate3A {strides = array<i32>} : memref<16x320xf32, #tpu.memory_space<vmem>>, vector<16x320xf32>,
    return
  }
  func.func @transform_0(%arg0: i32) -> (i32, i32) {
    %c0_i32 = arith.constant 0 : i32
    %c0_i32_0 = arith.constant 0 : i32
    return %arg0, %c0_i32 : i32, i32
  }
  func.func @transform_1(%arg0: i32) -> (i32, i32) {
    %c0_i32 = arith.constant 0 : i32
    %c0_i32_0 = arith.constant 0 : i32
    return %arg0, %c0_i32 : i32, i32
  }
  func.func @transform_2(%arg0: i32) -> (i32, i32) {
    %c0_i32 = arith.constant 0 : i32
    %c0_i32_0 = arith.constant 0 : i32
    return %arg0, %c0_i32 : i32, i32
  }
}

module attributes {stable_mosaic.version = 14 : i64} {
  func.func @_topk_lex_body(%arg0: i32, %arg1: memref<1024x320xf32, #tpu.memory_space<vmem>>, %arg2: memref<1024x320xi32, #tpu.memory_space<vmem>>, %arg3: memref<1024x20xi32, #tpu.memory_space<vmem>>) attributes {dimension_semantics = [#tpu.dimension_semantics<arbitrary>], iteration_bounds = array<i64: 1>, scalar_prefetch = 0 : i64, scratch_operands = 0 : i64, tpu.core_type = #tpu.core_type<tc>, window_params = [{transform_indices = @transform_0, window_bounds = array<i64: 1024, 320>}, {transform_indices = @transform_1, window_bounds = array<i64: 1024, 320>}, {transform_indices = @transform_2, window_bounds = array<i64: 1024, 20>}]} {
    %get3A = arith.constant 0 : index
    %get3A_0 = arith.constant 0 : index
    %get3A_1 = vector.load %arg1[%get3A, %get3A_0] : memref<1024x320xf32, #tpu.memory_space<vmem>>, vector<1024x320xf32>
    %get3A_2 = arith.constant 0 : index
    %get3A_3 = arith.constant 0 : index
    %get3A_4 = vector.load %arg2[%get3A_2, %get3A_3] : memref<1024x320xi32, #tpu.memory_space<vmem>>, vector<1024x320xi32>
    %ge3A = arith.constant 100000 : i32
    %ge3A_5 = vector.broadcast %ge3A : i32 to vector<1024x320xi32>
    %ge3A_6 = arith.cmpi sge, %get3A_4, %ge3A_5 : vector<1024x320xi32>
    %jit3A = arith.constant 0xFF800000 : f32
    %broadcast_in_dim3A = vector.broadcast %jit3A : f32 to vector<1024x320xf32>
    %select_n3A = arith.select %ge3A_6, %broadcast_in_dim3A, %get3A_1 : vector<1024x320xi1>, vector<1024x320xf32>
    %reduce_max3A = arith.constant dense<0xFF800000> : vector<1024xf32>
    %reduce_max3A_7 = vector.multi_reduction <maximumf>, %select_n3A, %reduce_max3A [1] : vector<1024x320xf32> to vector<1024xf32>
    %broadcast_in_dim3A_8 = vector.shape_cast %reduce_max3A_7 : vector<1024xf32> to vector<1024x1xf32>
    %eq3A = vector.broadcast %broadcast_in_dim3A_8 : vector<1024x1xf32> to vector<1024x320xf32>
    %eq3A_9 = arith.cmpf oeq, %select_n3A, %eq3A : vector<1024x320xf32>
    %jit3A_10 = arith.constant 1073741824 : i32
    %broadcast_in_dim3A_11 = vector.broadcast %jit3A_10 : i32 to vector<1024x320xi32>
    %select_n3A_12 = arith.select %eq3A_9, %get3A_4, %broadcast_in_dim3A_11 : vector<1024x320xi1>, vector<1024x320xi32>
    %reduce_min3A = arith.constant dense<2147483647> : vector<1024xi32>
    %reduce_min3A_13 = vector.multi_reduction <minsi>, %select_n3A_12, %reduce_min3A [1] : vector<1024x320xi32> to vector<1024xi32>
    %broadcast_in_dim3A_14 = vector.shape_cast %reduce_min3A_13 : vector<1024xi32> to vector<1024x1xi32>
    %eq3A_15 = vector.broadcast %broadcast_in_dim3A_14 : vector<1024x1xi32> to vector<1024x320xi32>
    %eq3A_16 = arith.cmpi eq, %get3A_4, %eq3A_15 : vector<1024x320xi32>
    %and3A = arith.andi %eq3A_9, %eq3A_16 : vector<1024x320xi1>
    %jit3A_17 = arith.constant 0xFF800000 : f32
    %broadcast_in_dim3A_18 = vector.broadcast %jit3A_17 : f32 to vector<1024x320xf32>
    %select_n3A_19 = arith.select %and3A, %broadcast_in_dim3A_18, %select_n3A : vector<1024x320xi1>, vector<1024x320xf32>
    %reduce_max3A_20 = arith.constant dense<0xFF800000> : vector<1024xf32>
    %reduce_max3A_21 = vector.multi_reduction <maximumf>, %select_n3A_19, %reduce_max3A_20 [1] : vector<1024x320xf32> to vector<1024xf32>
    %broadcast_in_dim3A_22 = vector.shape_cast %reduce_max3A_21 : vector<1024xf32> to vector<1024x1xf32>
    %eq3A_23 = vector.broadcast %broadcast_in_dim3A_22 : vector<1024x1xf32> to vector<1024x320xf32>
    %eq3A_24 = arith.cmpf oeq, %select_n3A_19, %eq3A_23 : vector<1024x320xf32>
    %jit3A_25 = arith.constant 1073741824 : i32
    %broadcast_in_dim3A_26 = vector.broadcast %jit3A_25 : i32 to vector<1024x320xi32>
    %select_n3A_27 = arith.select %eq3A_24, %get3A_4, %broadcast_in_dim3A_26 : vector<1024x320xi1>, vector<1024x320xi32>
    %reduce_min3A_28 = arith.constant dense<2147483647> : vector<1024xi32>
    %reduce_min3A_29 = vector.multi_reduction <minsi>, %select_n3A_27, %reduce_min3A_28 [1] : vector<1024x320xi32> to vector<1024xi32>
    %broadcast_in_dim3A_30 = vector.shape_cast %reduce_min3A_29 : vector<1024xi32> to vector<1024x1xi32>
    %eq3A_31 = vector.broadcast %broadcast_in_dim3A_30 : vector<1024x1xi32> to vector<1024x320xi32>
    %eq3A_32 = arith.cmpi eq, %get3A_4, %eq3A_31 : vector<1024x320xi32>
    %and3A_33 = arith.andi %eq3A_24, %eq3A_32 : vector<1024x320xi1>
    %jit3A_34 = arith.constant 0xFF800000 : f32
    %broadcast_in_dim3A_35 = vector.broadcast %jit3A_34 : f32 to vector<1024x320xf32>
    %select_n3A_36 = arith.select %and3A_33, %broadcast_in_dim3A_35, %select_n3A_19 : vector<1024x320xi1>, vector<1024x320xf32>
    %reduce_max3A_37 = arith.constant dense<0xFF800000> : vector<1024xf32>
    %reduce_max3A_38 = vector.multi_reduction <maximumf>, %select_n3A_36, %reduce_max3A_37 [1] : vector<1024x320xf32> to vector<1024xf32>
    %broadcast_in_dim3A_39 = vector.shape_cast %reduce_max3A_38 : vector<1024xf32> to vector<1024x1xf32>
    %eq3A_40 = vector.broadcast %broadcast_in_dim3A_39 : vector<1024x1xf32> to vector<1024x320xf32>
    %eq3A_41 = arith.cmpf oeq, %select_n3A_36, %eq3A_40 : vector<1024x320xf32>
    %jit3A_42 = arith.constant 1073741824 : i32
    %broadcast_in_dim3A_43 = vector.broadcast %jit3A_42 : i32 to vector<1024x320xi32>
    %select_n3A_44 = arith.select %eq3A_41, %get3A_4, %broadcast_in_dim3A_43 : vector<1024x320xi1>, vector<1024x320xi32>
    %reduce_min3A_45 = arith.constant dense<2147483647> : vector<1024xi32>
    %reduce_min3A_46 = vector.multi_reduction <minsi>, %select_n3A_44, %reduce_min3A_45 [1] : vector<1024x320xi32> to vector<1024xi32>
    %broadcast_in_dim3A_47 = vector.shape_cast %reduce_min3A_46 : vector<1024xi32> to vector<1024x1xi32>
    %eq3A_48 = vector.broadcast %broadcast_in_dim3A_47 : vector<1024x1xi32> to vector<1024x320xi32>
    %eq3A_49 = arith.cmpi eq, %get3A_4, %eq3A_48 : vector<1024x320xi32>
    %and3A_50 = arith.andi %eq3A_41, %eq3A_49 : vector<1024x320xi1>
    %jit3A_51 = arith.constant 0xFF800000 : f32
    %broadcast_in_dim3A_52 = vector.broadcast %jit3A_51 : f32 to vector<1024x320xf32>
    %select_n3A_53 = arith.select %and3A_50, %broadcast_in_dim3A_52, %select_n3A_36 : vector<1024x320xi1>, vector<1024x320xf32>
    %reduce_max3A_54 = arith.constant dense<0xFF800000> : vector<1024xf32>
    %reduce_max3A_55 = vector.multi_reduction <maximumf>, %select_n3A_53, %reduce_max3A_54 [1] : vector<1024x320xf32> to vector<1024xf32>
    %broadcast_in_dim3A_56 = vector.shape_cast %reduce_max3A_55 : vector<1024xf32> to vector<1024x1xf32>
    %eq3A_57 = vector.broadcast %broadcast_in_dim3A_56 : vector<1024x1xf32> to vector<1024x320xf32>
    %eq3A_58 = arith.cmpf oeq, %select_n3A_53, %eq3A_57 : vector<1024x320xf32>
    %jit3A_59 = arith.constant 1073741824 : i32
    %broadcast_in_dim3A_60 = vector.broadcast %jit3A_59 : i32 to vector<1024x320xi32>
    %select_n3A_61 = arith.select %eq3A_58, %get3A_4, %broadcast_in_dim3A_60 : vector<1024x320xi1>, vector<1024x320xi32>
    %reduce_min3A_62 = arith.constant dense<2147483647> : vector<1024xi32>
    %reduce_min3A_63 = vector.multi_reduction <minsi>, %select_n3A_61, %reduce_min3A_62 [1] : vector<1024x320xi32> to vector<1024xi32>
    %broadcast_in_dim3A_64 = vector.shape_cast %reduce_min3A_63 : vector<1024xi32> to vector<1024x1xi32>
    %eq3A_65 = vector.broadcast %broadcast_in_dim3A_64 : vector<1024x1xi32> to vector<1024x320xi32>
    %eq3A_66 = arith.cmpi eq, %get3A_4, %eq3A_65 : vector<1024x320xi32>
    %and3A_67 = arith.andi %eq3A_58, %eq3A_66 : vector<1024x320xi1>
    %jit3A_68 = arith.constant 0xFF800000 : f32
    %broadcast_in_dim3A_69 = vector.broadcast %jit3A_68 : f32 to vector<1024x320xf32>
    %select_n3A_70 = arith.select %and3A_67, %broadcast_in_dim3A_69, %select_n3A_53 : vector<1024x320xi1>, vector<1024x320xf32>
    %reduce_max3A_71 = arith.constant dense<0xFF800000> : vector<1024xf32>
    %reduce_max3A_72 = vector.multi_reduction <maximumf>, %select_n3A_70, %reduce_max3A_71 [1] : vector<1024x320xf32> to vector<1024xf32>
    %broadcast_in_dim3A_73 = vector.shape_cast %reduce_max3A_72 : vector<1024xf32> to vector<1024x1xf32>
    %eq3A_74 = vector.broadcast %broadcast_in_dim3A_73 : vector<1024x1xf32> to vector<1024x320xf32>
    %eq3A_75 = arith.cmpf oeq, %select_n3A_70, %eq3A_74 : vector<1024x320xf32>
    %jit3A_76 = arith.constant 1073741824 : i32
    %broadcast_in_dim3A_77 = vector.broadcast %jit3A_76 : i32 to vector<1024x320xi32>
    %select_n3A_78 = arith.select %eq3A_75, %get3A_4, %broadcast_in_dim3A_77 : vector<1024x320xi1>, vector<1024x320xi32>
    %reduce_min3A_79 = arith.constant dense<2147483647> : vector<1024xi32>
    %reduce_min3A_80 = vector.multi_reduction <minsi>, %select_n3A_78, %reduce_min3A_79 [1] : vector<1024x320xi32> to vector<1024xi32>
    %broadcast_in_dim3A_81 = vector.shape_cast %reduce_min3A_80 : vector<1024xi32> to vector<1024x1xi32>
    %eq3A_82 = vector.broadcast %broadcast_in_dim3A_81 : vector<1024x1xi32> to vector<1024x320xi32>
    %eq3A_83 = arith.cmpi eq, %get3A_4, %eq3A_82 : vector<1024x320xi32>
    %and3A_84 = arith.andi %eq3A_75, %eq3A_83 : vector<1024x320xi1>
    %jit3A_85 = arith.constant 0xFF800000 : f32
    %broadcast_in_dim3A_86 = vector.broadcast %jit3A_85 : f32 to vector<1024x320xf32>
    %select_n3A_87 = arith.select %and3A_84, %broadcast_in_dim3A_86, %select_n3A_70 : vector<1024x320xi1>, vector<1024x320xf32>
    %reduce_max3A_88 = arith.constant dense<0xFF800000> : vector<1024xf32>
    %reduce_max3A_89 = vector.multi_reduction <maximumf>, %select_n3A_87, %reduce_max3A_88 [1] : vector<1024x320xf32> to vector<1024xf32>
    %broadcast_in_dim3A_90 = vector.shape_cast %reduce_max3A_89 : vector<1024xf32> to vector<1024x1xf32>
    %eq3A_91 = vector.broadcast %broadcast_in_dim3A_90 : vector<1024x1xf32> to vector<1024x320xf32>
    %eq3A_92 = arith.cmpf oeq, %select_n3A_87, %eq3A_91 : vector<1024x320xf32>
    %jit3A_93 = arith.constant 1073741824 : i32
    %broadcast_in_dim3A_94 = vector.broadcast %jit3A_93 : i32 to vector<1024x320xi32>
    %select_n3A_95 = arith.select %eq3A_92, %get3A_4, %broadcast_in_dim3A_94 : vector<1024x320xi1>, vector<1024x320xi32>
    %reduce_min3A_96 = arith.constant dense<2147483647> : vector<1024xi32>
    %reduce_min3A_97 = vector.multi_reduction <minsi>, %select_n3A_95, %reduce_min3A_96 [1] : vector<1024x320xi32> to vector<1024xi32>
    %broadcast_in_dim3A_98 = vector.shape_cast %reduce_min3A_97 : vector<1024xi32> to vector<1024x1xi32>
    %eq3A_99 = vector.broadcast %broadcast_in_dim3A_98 : vector<1024x1xi32> to vector<1024x320xi32>
    %eq3A_100 = arith.cmpi eq, %get3A_4, %eq3A_99 : vector<1024x320xi32>
    %and3A_101 = arith.andi %eq3A_92, %eq3A_100 : vector<1024x320xi1>
    %jit3A_102 = arith.constant 0xFF800000 : f32
    %broadcast_in_dim3A_103 = vector.broadcast %jit3A_102 : f32 to vector<1024x320xf32>
    %select_n3A_104 = arith.select %and3A_101, %broadcast_in_dim3A_103, %select_n3A_87 : vector<1024x320xi1>, vector<1024x320xf32>
    %reduce_max3A_105 = arith.constant dense<0xFF800000> : vector<1024xf32>
    %reduce_max3A_106 = vector.multi_reduction <maximumf>, %select_n3A_104, %reduce_max3A_105 [1] : vector<1024x320xf32> to vector<1024xf32>
    %broadcast_in_dim3A_107 = vector.shape_cast %reduce_max3A_106 : vector<1024xf32> to vector<1024x1xf32>
    %eq3A_108 = vector.broadcast %broadcast_in_dim3A_107 : vector<1024x1xf32> to vector<1024x320xf32>
    %eq3A_109 = arith.cmpf oeq, %select_n3A_104, %eq3A_108 : vector<1024x320xf32>
    %jit3A_110 = arith.constant 1073741824 : i32
    %broadcast_in_dim3A_111 = vector.broadcast %jit3A_110 : i32 to vector<1024x320xi32>
    %select_n3A_112 = arith.select %eq3A_109, %get3A_4, %broadcast_in_dim3A_111 : vector<1024x320xi1>, vector<1024x320xi32>
    %reduce_min3A_113 = arith.constant dense<2147483647> : vector<1024xi32>
    %reduce_min3A_114 = vector.multi_reduction <minsi>, %select_n3A_112, %reduce_min3A_113 [1] : vector<1024x320xi32> to vector<1024xi32>
    %broadcast_in_dim3A_115 = vector.shape_cast %reduce_min3A_114 : vector<1024xi32> to vector<1024x1xi32>
    %eq3A_116 = vector.broadcast %broadcast_in_dim3A_115 : vector<1024x1xi32> to vector<1024x320xi32>
    %eq3A_117 = arith.cmpi eq, %get3A_4, %eq3A_116 : vector<1024x320xi32>
    %and3A_118 = arith.andi %eq3A_109, %eq3A_117 : vector<1024x320xi1>
    %jit3A_119 = arith.constant 0xFF800000 : f32
    %broadcast_in_dim3A_120 = vector.broadcast %jit3A_119 : f32 to vector<1024x320xf32>
    %select_n3A_121 = arith.select %and3A_118, %broadcast_in_dim3A_120, %select_n3A_104 : vector<1024x320xi1>, vector<1024x320xf32>
    %reduce_max3A_122 = arith.constant dense<0xFF800000> : vector<1024xf32>
    %reduce_max3A_123 = vector.multi_reduction <maximumf>, %select_n3A_121, %reduce_max3A_122 [1] : vector<1024x320xf32> to vector<1024xf32>
    %broadcast_in_dim3A_124 = vector.shape_cast %reduce_max3A_123 : vector<1024xf32> to vector<1024x1xf32>
    %eq3A_125 = vector.broadcast %broadcast_in_dim3A_124 : vector<1024x1xf32> to vector<1024x320xf32>
    %eq3A_126 = arith.cmpf oeq, %select_n3A_121, %eq3A_125 : vector<1024x320xf32>
    %jit3A_127 = arith.constant 1073741824 : i32
    %broadcast_in_dim3A_128 = vector.broadcast %jit3A_127 : i32 to vector<1024x320xi32>
    %select_n3A_129 = arith.select %eq3A_126, %get3A_4, %broadcast_in_dim3A_128 : vector<1024x320xi1>, vector<1024x320xi32>
    %reduce_min3A_130 = arith.constant dense<2147483647> : vector<1024xi32>
    %reduce_min3A_131 = vector.multi_reduction <minsi>, %select_n3A_129, %reduce_min3A_130 [1] : vector<1024x320xi32> to vector<1024xi32>
    %broadcast_in_dim3A_132 = vector.shape_cast %reduce_min3A_131 : vector<1024xi32> to vector<1024x1xi32>
    %eq3A_133 = vector.broadcast %broadcast_in_dim3A_132 : vector<1024x1xi32> to vector<1024x320xi32>
    %eq3A_134 = arith.cmpi eq, %get3A_4, %eq3A_133 : vector<1024x320xi32>
    %and3A_135 = arith.andi %eq3A_126, %eq3A_134 : vector<1024x320xi1>
    %jit3A_136 = arith.constant 0xFF800000 : f32
    %broadcast_in_dim3A_137 = vector.broadcast %jit3A_136 : f32 to vector<1024x320xf32>
    %select_n3A_138 = arith.select %and3A_135, %broadcast_in_dim3A_137, %select_n3A_121 : vector<1024x320xi1>, vector<1024x320xf32>
    %reduce_max3A_139 = arith.constant dense<0xFF800000> : vector<1024xf32>
    %reduce_max3A_140 = vector.multi_reduction <maximumf>, %select_n3A_138, %reduce_max3A_139 [1] : vector<1024x320xf32> to vector<1024xf32>
    %broadcast_in_dim3A_141 = vector.shape_cast %reduce_max3A_140 : vector<1024xf32> to vector<1024x1xf32>
    %eq3A_142 = vector.broadcast %broadcast_in_dim3A_141 : vector<1024x1xf32> to vector<1024x320xf32>
    %eq3A_143 = arith.cmpf oeq, %select_n3A_138, %eq3A_142 : vector<1024x320xf32>
    %jit3A_144 = arith.constant 1073741824 : i32
    %broadcast_in_dim3A_145 = vector.broadcast %jit3A_144 : i32 to vector<1024x320xi32>
    %select_n3A_146 = arith.select %eq3A_143, %get3A_4, %broadcast_in_dim3A_145 : vector<1024x320xi1>, vector<1024x320xi32>
    %reduce_min3A_147 = arith.constant dense<2147483647> : vector<1024xi32>
    %reduce_min3A_148 = vector.multi_reduction <minsi>, %select_n3A_146, %reduce_min3A_147 [1] : vector<1024x320xi32> to vector<1024xi32>
    %broadcast_in_dim3A_149 = vector.shape_cast %reduce_min3A_148 : vector<1024xi32> to vector<1024x1xi32>
    %eq3A_150 = vector.broadcast %broadcast_in_dim3A_149 : vector<1024x1xi32> to vector<1024x320xi32>
    %eq3A_151 = arith.cmpi eq, %get3A_4, %eq3A_150 : vector<1024x320xi32>
    %and3A_152 = arith.andi %eq3A_143, %eq3A_151 : vector<1024x320xi1>
    %jit3A_153 = arith.constant 0xFF800000 : f32
    %broadcast_in_dim3A_154 = vector.broadcast %jit3A_153 : f32 to vector<1024x320xf32>
    %select_n3A_155 = arith.select %and3A_152, %broadcast_in_dim3A_154, %select_n3A_138 : vector<1024x320xi1>, vector<1024x320xf32>
    %reduce_max3A_156 = arith.constant dense<0xFF800000> : vector<1024xf32>
    %reduce_max3A_157 = vector.multi_reduction <maximumf>, %select_n3A_155, %reduce_max3A_156 [1] : vector<1024x320xf32> to vector<1024xf32>
    %broadcast_in_dim3A_158 = vector.shape_cast %reduce_max3A_157 : vector<1024xf32> to vector<1024x1xf32>
    %eq3A_159 = vector.broadcast %broadcast_in_dim3A_158 : vector<1024x1xf32> to vector<1024x320xf32>
    %eq3A_160 = arith.cmpf oeq, %select_n3A_155, %eq3A_159 : vector<1024x320xf32>
    %jit3A_161 = arith.constant 1073741824 : i32
    %broadcast_in_dim3A_162 = vector.broadcast %jit3A_161 : i32 to vector<1024x320xi32>
    %select_n3A_163 = arith.select %eq3A_160, %get3A_4, %broadcast_in_dim3A_162 : vector<1024x320xi1>, vector<1024x320xi32>
    %reduce_min3A_164 = arith.constant dense<2147483647> : vector<1024xi32>
    %reduce_min3A_165 = vector.multi_reduction <minsi>, %select_n3A_163, %reduce_min3A_164 [1] : vector<1024x320xi32> to vector<1024xi32>
    %broadcast_in_dim3A_166 = vector.shape_cast %reduce_min3A_165 : vector<1024xi32> to vector<1024x1xi32>
    %eq3A_167 = vector.broadcast %broadcast_in_dim3A_166 : vector<1024x1xi32> to vector<1024x320xi32>
    %eq3A_168 = arith.cmpi eq, %get3A_4, %eq3A_167 : vector<1024x320xi32>
    %and3A_169 = arith.andi %eq3A_160, %eq3A_168 : vector<1024x320xi1>
    %jit3A_170 = arith.constant 0xFF800000 : f32
    %broadcast_in_dim3A_171 = vector.broadcast %jit3A_170 : f32 to vector<1024x320xf32>
    %select_n3A_172 = arith.select %and3A_169, %broadcast_in_dim3A_171, %select_n3A_155 : vector<1024x320xi1>, vector<1024x320xf32>
    %reduce_max3A_173 = arith.constant dense<0xFF800000> : vector<1024xf32>
    %reduce_max3A_174 = vector.multi_reduction <maximumf>, %select_n3A_172, %reduce_max3A_173 [1] : vector<1024x320xf32> to vector<1024xf32>
    %broadcast_in_dim3A_175 = vector.shape_cast %reduce_max3A_174 : vector<1024xf32> to vector<1024x1xf32>
    %eq3A_176 = vector.broadcast %broadcast_in_dim3A_175 : vector<1024x1xf32> to vector<1024x320xf32>
    %eq3A_177 = arith.cmpf oeq, %select_n3A_172, %eq3A_176 : vector<1024x320xf32>
    %jit3A_178 = arith.constant 1073741824 : i32
    %broadcast_in_dim3A_179 = vector.broadcast %jit3A_178 : i32 to vector<1024x320xi32>
    %select_n3A_180 = arith.select %eq3A_177, %get3A_4, %broadcast_in_dim3A_179 : vector<1024x320xi1>, vector<1024x320xi32>
    %reduce_min3A_181 = arith.constant dense<2147483647> : vector<1024xi32>
    %reduce_min3A_182 = vector.multi_reduction <minsi>, %select_n3A_180, %reduce_min3A_181 [1] : vector<1024x320xi32> to vector<1024xi32>
    %broadcast_in_dim3A_183 = vector.shape_cast %reduce_min3A_182 : vector<1024xi32> to vector<1024x1xi32>
    %eq3A_184 = vector.broadcast %broadcast_in_dim3A_183 : vector<1024x1xi32> to vector<1024x320xi32>
    %eq3A_185 = arith.cmpi eq, %get3A_4, %eq3A_184 : vector<1024x320xi32>
    %and3A_186 = arith.andi %eq3A_177, %eq3A_185 : vector<1024x320xi1>
    %jit3A_187 = arith.constant 0xFF800000 : f32
    %broadcast_in_dim3A_188 = vector.broadcast %jit3A_187 : f32 to vector<1024x320xf32>
    %select_n3A_189 = arith.select %and3A_186, %broadcast_in_dim3A_188, %select_n3A_172 : vector<1024x320xi1>, vector<1024x320xf32>
    %reduce_max3A_190 = arith.constant dense<0xFF800000> : vector<1024xf32>
    %reduce_max3A_191 = vector.multi_reduction <maximumf>, %select_n3A_189, %reduce_max3A_190 [1] : vector<1024x320xf32> to vector<1024xf32>
    %broadcast_in_dim3A_192 = vector.shape_cast %reduce_max3A_191 : vector<1024xf32> to vector<1024x1xf32>
    %eq3A_193 = vector.broadcast %broadcast_in_dim3A_192 : vector<1024x1xf32> to vector<1024x320xf32>
    %eq3A_194 = arith.cmpf oeq, %select_n3A_189, %eq3A_193 : vector<1024x320xf32>
    %jit3A_195 = arith.constant 1073741824 : i32
    %broadcast_in_dim3A_196 = vector.broadcast %jit3A_195 : i32 to vector<1024x320xi32>
    %select_n3A_197 = arith.select %eq3A_194, %get3A_4, %broadcast_in_dim3A_196 : vector<1024x320xi1>, vector<1024x320xi32>
    %reduce_min3A_198 = arith.constant dense<2147483647> : vector<1024xi32>
    %reduce_min3A_199 = vector.multi_reduction <minsi>, %select_n3A_197, %reduce_min3A_198 [1] : vector<1024x320xi32> to vector<1024xi32>
    %broadcast_in_dim3A_200 = vector.shape_cast %reduce_min3A_199 : vector<1024xi32> to vector<1024x1xi32>
    %eq3A_201 = vector.broadcast %broadcast_in_dim3A_200 : vector<1024x1xi32> to vector<1024x320xi32>
    %eq3A_202 = arith.cmpi eq, %get3A_4, %eq3A_201 : vector<1024x320xi32>
    %and3A_203 = arith.andi %eq3A_194, %eq3A_202 : vector<1024x320xi1>
    %jit3A_204 = arith.constant 0xFF800000 : f32
    %broadcast_in_dim3A_205 = vector.broadcast %jit3A_204 : f32 to vector<1024x320xf32>
    %select_n3A_206 = arith.select %and3A_203, %broadcast_in_dim3A_205, %select_n3A_189 : vector<1024x320xi1>, vector<1024x320xf32>
    %reduce_max3A_207 = arith.constant dense<0xFF800000> : vector<1024xf32>
    %reduce_max3A_208 = vector.multi_reduction <maximumf>, %select_n3A_206, %reduce_max3A_207 [1] : vector<1024x320xf32> to vector<1024xf32>
    %broadcast_in_dim3A_209 = vector.shape_cast %reduce_max3A_208 : vector<1024xf32> to vector<1024x1xf32>
    %eq3A_210 = vector.broadcast %broadcast_in_dim3A_209 : vector<1024x1xf32> to vector<1024x320xf32>
    %eq3A_211 = arith.cmpf oeq, %select_n3A_206, %eq3A_210 : vector<1024x320xf32>
    %jit3A_212 = arith.constant 1073741824 : i32
    %broadcast_in_dim3A_213 = vector.broadcast %jit3A_212 : i32 to vector<1024x320xi32>
    %select_n3A_214 = arith.select %eq3A_211, %get3A_4, %broadcast_in_dim3A_213 : vector<1024x320xi1>, vector<1024x320xi32>
    %reduce_min3A_215 = arith.constant dense<2147483647> : vector<1024xi32>
    %reduce_min3A_216 = vector.multi_reduction <minsi>, %select_n3A_214, %reduce_min3A_215 [1] : vector<1024x320xi32> to vector<1024xi32>
    %broadcast_in_dim3A_217 = vector.shape_cast %reduce_min3A_216 : vector<1024xi32> to vector<1024x1xi32>
    %eq3A_218 = vector.broadcast %broadcast_in_dim3A_217 : vector<1024x1xi32> to vector<1024x320xi32>
    %eq3A_219 = arith.cmpi eq, %get3A_4, %eq3A_218 : vector<1024x320xi32>
    %and3A_220 = arith.andi %eq3A_211, %eq3A_219 : vector<1024x320xi1>
    %jit3A_221 = arith.constant 0xFF800000 : f32
    %broadcast_in_dim3A_222 = vector.broadcast %jit3A_221 : f32 to vector<1024x320xf32>
    %select_n3A_223 = arith.select %and3A_220, %broadcast_in_dim3A_222, %select_n3A_206 : vector<1024x320xi1>, vector<1024x320xf32>
    %reduce_max3A_224 = arith.constant dense<0xFF800000> : vector<1024xf32>
    %reduce_max3A_225 = vector.multi_reduction <maximumf>, %select_n3A_223, %reduce_max3A_224 [1] : vector<1024x320xf32> to vector<1024xf32>
    %broadcast_in_dim3A_226 = vector.shape_cast %reduce_max3A_225 : vector<1024xf32> to vector<1024x1xf32>
    %eq3A_227 = vector.broadcast %broadcast_in_dim3A_226 : vector<1024x1xf32> to vector<1024x320xf32>
    %eq3A_228 = arith.cmpf oeq, %select_n3A_223, %eq3A_227 : vector<1024x320xf32>
    %jit3A_229 = arith.constant 1073741824 : i32
    %broadcast_in_dim3A_230 = vector.broadcast %jit3A_229 : i32 to vector<1024x320xi32>
    %select_n3A_231 = arith.select %eq3A_228, %get3A_4, %broadcast_in_dim3A_230 : vector<1024x320xi1>, vector<1024x320xi32>
    %reduce_min3A_232 = arith.constant dense<2147483647> : vector<1024xi32>
    %reduce_min3A_233 = vector.multi_reduction <minsi>, %select_n3A_231, %reduce_min3A_232 [1] : vector<1024x320xi32> to vector<1024xi32>
    %broadcast_in_dim3A_234 = vector.shape_cast %reduce_min3A_233 : vector<1024xi32> to vector<1024x1xi32>
    %eq3A_235 = vector.broadcast %broadcast_in_dim3A_234 : vector<1024x1xi32> to vector<1024x320xi32>
    %eq3A_236 = arith.cmpi eq, %get3A_4, %eq3A_235 : vector<1024x320xi32>
    %and3A_237 = arith.andi %eq3A_228, %eq3A_236 : vector<1024x320xi1>
    %jit3A_238 = arith.constant 0xFF800000 : f32
    %broadcast_in_dim3A_239 = vector.broadcast %jit3A_238 : f32 to vector<1024x320xf32>
    %select_n3A_240 = arith.select %and3A_237, %broadcast_in_dim3A_239, %select_n3A_223 : vector<1024x320xi1>, vector<1024x320xf32>
    %reduce_max3A_241 = arith.constant dense<0xFF800000> : vector<1024xf32>
    %reduce_max3A_242 = vector.multi_reduction <maximumf>, %select_n3A_240, %reduce_max3A_241 [1] : vector<1024x320xf32> to vector<1024xf32>
    %broadcast_in_dim3A_243 = vector.shape_cast %reduce_max3A_242 : vector<1024xf32> to vector<1024x1xf32>
    %eq3A_244 = vector.broadcast %broadcast_in_dim3A_243 : vector<1024x1xf32> to vector<1024x320xf32>
    %eq3A_245 = arith.cmpf oeq, %select_n3A_240, %eq3A_244 : vector<1024x320xf32>
    %jit3A_246 = arith.constant 1073741824 : i32
    %broadcast_in_dim3A_247 = vector.broadcast %jit3A_246 : i32 to vector<1024x320xi32>
    %select_n3A_248 = arith.select %eq3A_245, %get3A_4, %broadcast_in_dim3A_247 : vector<1024x320xi1>, vector<1024x320xi32>
    %reduce_min3A_249 = arith.constant dense<2147483647> : vector<1024xi32>
    %reduce_min3A_250 = vector.multi_reduction <minsi>, %select_n3A_248, %reduce_min3A_249 [1] : vector<1024x320xi32> to vector<1024xi32>
    %broadcast_in_dim3A_251 = vector.shape_cast %reduce_min3A_250 : vector<1024xi32> to vector<1024x1xi32>
    %eq3A_252 = vector.broadcast %broadcast_in_dim3A_251 : vector<1024x1xi32> to vector<1024x320xi32>
    %eq3A_253 = arith.cmpi eq, %get3A_4, %eq3A_252 : vector<1024x320xi32>
    %and3A_254 = arith.andi %eq3A_245, %eq3A_253 : vector<1024x320xi1>
    %jit3A_255 = arith.constant 0xFF800000 : f32
    %broadcast_in_dim3A_256 = vector.broadcast %jit3A_255 : f32 to vector<1024x320xf32>
    %select_n3A_257 = arith.select %and3A_254, %broadcast_in_dim3A_256, %select_n3A_240 : vector<1024x320xi1>, vector<1024x320xf32>
    %reduce_max3A_258 = arith.constant dense<0xFF800000> : vector<1024xf32>
    %reduce_max3A_259 = vector.multi_reduction <maximumf>, %select_n3A_257, %reduce_max3A_258 [1] : vector<1024x320xf32> to vector<1024xf32>
    %broadcast_in_dim3A_260 = vector.shape_cast %reduce_max3A_259 : vector<1024xf32> to vector<1024x1xf32>
    %eq3A_261 = vector.broadcast %broadcast_in_dim3A_260 : vector<1024x1xf32> to vector<1024x320xf32>
    %eq3A_262 = arith.cmpf oeq, %select_n3A_257, %eq3A_261 : vector<1024x320xf32>
    %jit3A_263 = arith.constant 1073741824 : i32
    %broadcast_in_dim3A_264 = vector.broadcast %jit3A_263 : i32 to vector<1024x320xi32>
    %select_n3A_265 = arith.select %eq3A_262, %get3A_4, %broadcast_in_dim3A_264 : vector<1024x320xi1>, vector<1024x320xi32>
    %reduce_min3A_266 = arith.constant dense<2147483647> : vector<1024xi32>
    %reduce_min3A_267 = vector.multi_reduction <minsi>, %select_n3A_265, %reduce_min3A_266 [1] : vector<1024x320xi32> to vector<1024xi32>
    %broadcast_in_dim3A_268 = vector.shape_cast %reduce_min3A_267 : vector<1024xi32> to vector<1024x1xi32>
    %eq3A_269 = vector.broadcast %broadcast_in_dim3A_268 : vector<1024x1xi32> to vector<1024x320xi32>
    %eq3A_270 = arith.cmpi eq, %get3A_4, %eq3A_269 : vector<1024x320xi32>
    %and3A_271 = arith.andi %eq3A_262, %eq3A_270 : vector<1024x320xi1>
    %jit3A_272 = arith.constant 0xFF800000 : f32
    %broadcast_in_dim3A_273 = vector.broadcast %jit3A_272 : f32 to vector<1024x320xf32>
    %select_n3A_274 = arith.select %and3A_271, %broadcast_in_dim3A_273, %select_n3A_257 : vector<1024x320xi1>, vector<1024x320xf32>
    %reduce_max3A_275 = arith.constant dense<0xFF800000> : vector<1024xf32>
    %reduce_max3A_276 = vector.multi_reduction <maximumf>, %select_n3A_274, %reduce_max3A_275 [1] : vector<1024x320xf32> to vector<1024xf32>
    %broadcast_in_dim3A_277 = vector.shape_cast %reduce_max3A_276 : vector<1024xf32> to vector<1024x1xf32>
    %eq3A_278 = vector.broadcast %broadcast_in_dim3A_277 : vector<1024x1xf32> to vector<1024x320xf32>
    %eq3A_279 = arith.cmpf oeq, %select_n3A_274, %eq3A_278 : vector<1024x320xf32>
    %jit3A_280 = arith.constant 1073741824 : i32
    %broadcast_in_dim3A_281 = vector.broadcast %jit3A_280 : i32 to vector<1024x320xi32>
    %select_n3A_282 = arith.select %eq3A_279, %get3A_4, %broadcast_in_dim3A_281 : vector<1024x320xi1>, vector<1024x320xi32>
    %reduce_min3A_283 = arith.constant dense<2147483647> : vector<1024xi32>
    %reduce_min3A_284 = vector.multi_reduction <minsi>, %select_n3A_282, %reduce_min3A_283 [1] : vector<1024x320xi32> to vector<1024xi32>
    %broadcast_in_dim3A_285 = vector.shape_cast %reduce_min3A_284 : vector<1024xi32> to vector<1024x1xi32>
    %eq3A_286 = vector.broadcast %broadcast_in_dim3A_285 : vector<1024x1xi32> to vector<1024x320xi32>
    %eq3A_287 = arith.cmpi eq, %get3A_4, %eq3A_286 : vector<1024x320xi32>
    %and3A_288 = arith.andi %eq3A_279, %eq3A_287 : vector<1024x320xi1>
    %jit3A_289 = arith.constant 0xFF800000 : f32
    %broadcast_in_dim3A_290 = vector.broadcast %jit3A_289 : f32 to vector<1024x320xf32>
    %select_n3A_291 = arith.select %and3A_288, %broadcast_in_dim3A_290, %select_n3A_274 : vector<1024x320xi1>, vector<1024x320xf32>
    %reduce_max3A_292 = arith.constant dense<0xFF800000> : vector<1024xf32>
    %reduce_max3A_293 = vector.multi_reduction <maximumf>, %select_n3A_291, %reduce_max3A_292 [1] : vector<1024x320xf32> to vector<1024xf32>
    %broadcast_in_dim3A_294 = vector.shape_cast %reduce_max3A_293 : vector<1024xf32> to vector<1024x1xf32>
    %eq3A_295 = vector.broadcast %broadcast_in_dim3A_294 : vector<1024x1xf32> to vector<1024x320xf32>
    %eq3A_296 = arith.cmpf oeq, %select_n3A_291, %eq3A_295 : vector<1024x320xf32>
    %jit3A_297 = arith.constant 1073741824 : i32
    %broadcast_in_dim3A_298 = vector.broadcast %jit3A_297 : i32 to vector<1024x320xi32>
    %select_n3A_299 = arith.select %eq3A_296, %get3A_4, %broadcast_in_dim3A_298 : vector<1024x320xi1>, vector<1024x320xi32>
    %reduce_min3A_300 = arith.constant dense<2147483647> : vector<1024xi32>
    %reduce_min3A_301 = vector.multi_reduction <minsi>, %select_n3A_299, %reduce_min3A_300 [1] : vector<1024x320xi32> to vector<1024xi32>
    %broadcast_in_dim3A_302 = vector.shape_cast %reduce_min3A_301 : vector<1024xi32> to vector<1024x1xi32>
    %eq3A_303 = vector.broadcast %broadcast_in_dim3A_302 : vector<1024x1xi32> to vector<1024x320xi32>
    %eq3A_304 = arith.cmpi eq, %get3A_4, %eq3A_303 : vector<1024x320xi32>
    %and3A_305 = arith.andi %eq3A_296, %eq3A_304 : vector<1024x320xi1>
    %jit3A_306 = arith.constant 0xFF800000 : f32
    %broadcast_in_dim3A_307 = vector.broadcast %jit3A_306 : f32 to vector<1024x320xf32>
    %select_n3A_308 = arith.select %and3A_305, %broadcast_in_dim3A_307, %select_n3A_291 : vector<1024x320xi1>, vector<1024x320xf32>
    %reduce_max3A_309 = arith.constant dense<0xFF800000> : vector<1024xf32>
    %reduce_max3A_310 = vector.multi_reduction <maximumf>, %select_n3A_308, %reduce_max3A_309 [1] : vector<1024x320xf32> to vector<1024xf32>
    %broadcast_in_dim3A_311 = vector.shape_cast %reduce_max3A_310 : vector<1024xf32> to vector<1024x1xf32>
    %eq3A_312 = vector.broadcast %broadcast_in_dim3A_311 : vector<1024x1xf32> to vector<1024x320xf32>
    %eq3A_313 = arith.cmpf oeq, %select_n3A_308, %eq3A_312 : vector<1024x320xf32>
    %jit3A_314 = arith.constant 1073741824 : i32
    %broadcast_in_dim3A_315 = vector.broadcast %jit3A_314 : i32 to vector<1024x320xi32>
    %select_n3A_316 = arith.select %eq3A_313, %get3A_4, %broadcast_in_dim3A_315 : vector<1024x320xi1>, vector<1024x320xi32>
    %reduce_min3A_317 = arith.constant dense<2147483647> : vector<1024xi32>
    %reduce_min3A_318 = vector.multi_reduction <minsi>, %select_n3A_316, %reduce_min3A_317 [1] : vector<1024x320xi32> to vector<1024xi32>
    %broadcast_in_dim3A_319 = vector.shape_cast %reduce_min3A_318 : vector<1024xi32> to vector<1024x1xi32>
    %eq3A_320 = vector.broadcast %broadcast_in_dim3A_319 : vector<1024x1xi32> to vector<1024x320xi32>
    %eq3A_321 = arith.cmpi eq, %get3A_4, %eq3A_320 : vector<1024x320xi32>
    %and3A_322 = arith.andi %eq3A_313, %eq3A_321 : vector<1024x320xi1>
    %jit3A_323 = arith.constant 0xFF800000 : f32
    %broadcast_in_dim3A_324 = vector.broadcast %jit3A_323 : f32 to vector<1024x320xf32>
    %select_n3A_325 = arith.select %and3A_322, %broadcast_in_dim3A_324, %select_n3A_308 : vector<1024x320xi1>, vector<1024x320xf32>
    %reduce_max3A_326 = arith.constant dense<0xFF800000> : vector<1024xf32>
    %reduce_max3A_327 = vector.multi_reduction <maximumf>, %select_n3A_325, %reduce_max3A_326 [1] : vector<1024x320xf32> to vector<1024xf32>
    %broadcast_in_dim3A_328 = vector.shape_cast %reduce_max3A_327 : vector<1024xf32> to vector<1024x1xf32>
    %eq3A_329 = vector.broadcast %broadcast_in_dim3A_328 : vector<1024x1xf32> to vector<1024x320xf32>
    %eq3A_330 = arith.cmpf oeq, %select_n3A_325, %eq3A_329 : vector<1024x320xf32>
    %jit3A_331 = arith.constant 1073741824 : i32
    %broadcast_in_dim3A_332 = vector.broadcast %jit3A_331 : i32 to vector<1024x320xi32>
    %select_n3A_333 = arith.select %eq3A_330, %get3A_4, %broadcast_in_dim3A_332 : vector<1024x320xi1>, vector<1024x320xi32>
    %reduce_min3A_334 = arith.constant dense<2147483647> : vector<1024xi32>
    %reduce_min3A_335 = vector.multi_reduction <minsi>, %select_n3A_333, %reduce_min3A_334 [1] : vector<1024x320xi32> to vector<1024xi32>
    %broadcast_in_dim3A_336 = vector.shape_cast %reduce_min3A_335 : vector<1024xi32> to vector<1024x1xi32>
    %concatenate3A = tpu.concatenate %broadcast_in_dim3A_14, %broadcast_in_dim3A_30, %broadcast_in_dim3A_47, %broadcast_in_dim3A_64, %broadcast_in_dim3A_81, %broadcast_in_dim3A_98, %broadcast_in_dim3A_115, %broadcast_in_dim3A_132, %broadcast_in_dim3A_149, %broadcast_in_dim3A_166, %broadcast_in_dim3A_183, %broadcast_in_dim3A_200, %broadcast_in_dim3A_217, %broadcast_in_dim3A_234, %broadcast_in_dim3A_251, %broadcast_in_dim3A_268, %broadcast_in_dim3A_285, %broadcast_in_dim3A_302, %broadcast_in_dim3A_319, %broadcast_in_dim3A_336 in 1 : vector<1024x1xi32>, vector<1024x1xi32>, vector<1024x1xi32>, vector<1024x1xi32>, vector<1024x1xi32>, vector<1024x1xi32>, vector<1024x1xi32>, vector<1024x1xi32>, vector<1024x1xi32>, vector<1024x1xi32>, vector<1024x1xi32>, vector<1024x1xi32>, vector<1024x1xi32>, vector<1024x1xi32>, vector<1024x1xi32>, vector<1024x1xi32>, vector<1024x1xi32>, vector<1024x1xi32>, vector<1024x1xi32>, vector<1024x1xi32> -> vector<1024x20xi32>
    %swap3A = arith.constant 0 : index
    %swap3A_337 = arith.constant 0 : index
    %swap3A_338 = vector.load %arg3[%swap3A, %swap3A_337] : memref<1024x20xi32, #tpu.memory_space<vmem>>, vector<1024x20xi32>
    tpu.vector_store %arg3[%swap3A, %swap3A_337], %concatenate3A {strides = array<i32>} : memref<1024x20xi32, #tpu.memory_space<vmem>>, vector<1024x20xi32>,
    return
  }
  func.func @transform_0(%arg0: i32) -> (i32, i32) {
    %c0_i32 = arith.constant 0 : i32
    %c0_i32_0 = arith.constant 0 : i32
    return %arg0, %c0_i32 : i32, i32
  }
  func.func @transform_1(%arg0: i32) -> (i32, i32) {
    %c0_i32 = arith.constant 0 : i32
    %c0_i32_0 = arith.constant 0 : i32
    return %arg0, %c0_i32 : i32, i32
  }
  func.func @transform_2(%arg0: i32) -> (i32, i32) {
    %c0_i32 = arith.constant 0 : i32
    %c0_i32_0 = arith.constant 0 : i32
    return %arg0, %c0_i32 : i32, i32
  }
}

</mosaic_0001>

<sc_bundles>
// kernel: gather_offload_async_start.1
scs
__scs_entry_jumppad:
0x0: {  	(pc) =	sbr.rel $0x88, $3  }
0x1: {  	(tag) =	ssettag $0x0;
	lr =	simm.s32 $0x1  }
0x2: {  	[smem:$0x3F9F] =	sst lr;
	_ =	strace $0xD0000000  }
0x3: {  	_ = 	snop  }
0x4: {  	_ = 	snop  }
0x5: {  	_ = 	snop  }
0x6: {  	_ = 	snop  }
0x7: {  	_ = 	snop  }
__scs_overlays_trampoline_lowered:
0x8: {  	[smem:$0x3FAE] =	sst s0  }
0x9: {  	[smem:$0x3FAF] =	sst s1  }
0xa: {  	[smem:$0x3FB0] =	sst s2  }
0xb: {  	[smem:$0x3FB1] =	sst s3  }
0xc: {  	[smem:$0x3FB2] =	sst s4  }
0xd: {  	[smem:$0x3FB3] =	sst s5  }
0xe: {  	[smem:$0x3FB4] =	sst s6  }
0xf: {  	[smem:$0x3FB5] =	sst s7  }
0x10: {  	[smem:$0x3FB6] =	sst s8  }
0x11: {  	[smem:$0x3FB7] =	sst s9;
	s0 =	simm.s32 @!p0 $0x0  }
0x12: {  	s1 =	sld [smem:$0x3F9D];
	s0 =	simm.s32 @p0 $0x1  }
0x13: {  	[smem:$0x3FB8] =	sst s0;
	s0 =	simm.s32 @!p1 $0x0  }
0x14: {  	s2 =	sld [smem:$0x3F9C];
	s0 =	simm.s32 @p1 $0x1  }
0x15: {  	[smem:$0x3FB9] =	sst s0;
	s0 =	simm.s32 @!p2 $0x0  }
0x16: {  	s3 =	sld [smem:$0x3FDB];
	s0 =	simm.s32 @p2 $0x1  }
0x17: {  	s4 =	simm.s32 $0x1BF5;
	[smem:$0x3FBB] =	sst s0  }
0x18: {  	s0 =	sld [smem:$0x3F9E];
	_ =	swait.ge [sflag:s4], $0x0  }
0x19: {  	s7 =	sld [smem:$0x3F9F]  }
0x1a: {  	s8 =	sadd.s32 $0xFFFFE003, lr  }
0x1b: {  	s9 =	sadd.s32 $0xFFFFFEF7, lr;
	s5 =	simm.s32 $0xFFFFFFFF;
	p2 =	slt.u32 s8, $0xFFFFF086  }
0x1c: {  	p1 =	slt.u32 s9, $0xF7A;
	s5 =	simm.s32 @!p2 $0x0  }
0x1d: {  	s5 =	simm.s32 @p1 $0x1;
	p0 =	seq.s32 s7, s2  }
0x1e: {  	s7 =	smul.u32 @!p0 $0xF7A, s2;
	p2 =	seq.s32 @!p0 s5, $0x0  }
0x1f: {  	s9 =	smul.u32 $0xF7A, s1;
	s8 =	simm.s32 @!p0 $0x1BF5;
	p2 =	por !p2, p0  }
0x20: {  	[sflag:s8] =	ssyncset.s32 @!p0 $0xFFFFF086;
	s6 =	sadd.s32 @!p0 s3, s7;
	s7 =	simm.s32 @!p0 $0x108  }
0x21: {  	s3 =	sadd.s32 s3, s9;
	s6 =	sadd.s32 @!p0 $0x88, s6;
	s7 =	simm.s32 @p2 $0x1082  }
0x22: {  	[simem:s7], [sflag:s8] =	dma.local @!p0 [hbm:s6], $0xF7A  }
0x23: {  	s9 =	sor.u32 $0xD0000000, s2;
	s6 =	simm.s32 $0x108;
	_ =	swait.ge @!p0 [sflag:s8], $0x0  }
0x24: {  	s3 =	sadd.s32 $0x88, s3;
	s6 =	simm.s32 @!p1 $0x1082;
	[sflag:s4] =	ssyncset.s32 $0xFFFFF086  }
0x25: {  	[simem:s6], [sflag:s4] =	dma.local [hbm:s3], $0xF7A  }
0x26: {  	[smem:$0x3F9F] =	sst s1;
	(tag) =	ssettag s2;
	_ =	strace s9  }
0x27: {  	s1 =	sld [smem:$0x3FAF]  }
0x28: {  	s2 =	sld [smem:$0x3FB0]  }
0x29: {  	s4 =	sld [smem:$0x3FB2]  }
0x2a: {  	p0 =	seq.s32 s5, $0x0;
	s5 =	sld [smem:$0x3FB3]  }
0x2b: {  	s6 =	sld [smem:$0x3FB4]  }
0x2c: {  	s7 =	sld [smem:$0x3FB5]  }
0x2d: {  	s3 =	simm.s32 $0x108;
	s8 =	sld [smem:$0x3FB6]  }
0x2e: {  	s3 =	simm.s32 @!p0 $0x1082;
	s9 =	sld [smem:$0x3FB7]  }
0x2f: {  	lr =	sadd.s32 s0, s3;
	s0 =	sld [smem:$0x3FAE]  }
0x30: {  	s3 =	sld [smem:$0x3FB1]  }
0x31: {  	[smem:$0x3FBA] =	sst s10  }
0x32: {  	s10 =	sld [smem:$0x3FB8];
	_ =	sdelay $0x3  }
0x33: {  	p0 =	seq.s32 s10, $0x1;
	s10 =	sld [smem:$0x3FBA];
	_ =	sdelay $0x3  }
0x34: {  	[smem:$0x3FBA] =	sst s10  }
0x35: {  	s10 =	sld [smem:$0x3FB9];
	_ =	sdelay $0x3  }
0x36: {  	p1 =	seq.s32 s10, $0x1;
	s10 =	sld [smem:$0x3FBA];
	_ =	sdelay $0x3  }
0x37: {  	[smem:$0x3FBA] =	sst s10  }
0x38: {  	s10 =	sld [smem:$0x3FBB]  }
0x39: {  	_ = 	snop;
	(pc) =	sbr.ind lr, $3  }
0x3a: {  	_ = 	snop  }
0x3b: {  	_ = 	snop  }
0x3c: {  	p2 =	seq.s32 s10, $0x1;
	s10 =	sld [smem:$0x3FBA]  }
0x3d: {  	_ =	shalt  }
0x3e: {  	_ =	shalt  }
0x3f: {  	_ =	shalt  }
0x40: {  	_ =	shalt  }
0x41: {  	_ =	shalt  }
0x42: {  	_ =	shalt  }
0x43: {  	_ =	shalt  }
0x44: {  	_ =	shalt  }
0x45: {  	_ =	shalt  }
0x46: {  	_ =	shalt  }
0x47: {  	_ =	shalt  }
0x48: {  	_ =	shalt  }
0x49: {  	_ =	shalt  }
0x4a: {  	_ =	shalt  }
0x4b: {  	_ =	shalt  }
0x4c: {  	_ =	shalt  }
0x4d: {  	_ =	shalt  }
0x4e: {  	_ =	shalt  }
0x4f: {  	_ =	shalt  }
0x50: {  	_ =	shalt  }
0x51: {  	_ =	shalt  }
0x52: {  	_ =	shalt  }
0x53: {  	_ =	shalt  }
0x54: {  	_ =	shalt  }
0x55: {  	_ =	shalt  }
0x56: {  	_ =	shalt  }
0x57: {  	_ =	shalt  }
0x58: {  	_ =	shalt  }
0x59: {  	_ =	shalt  }
0x5a: {  	_ =	shalt  }
0x5b: {  	_ =	shalt  }
0x5c: {  	_ =	shalt  }
0x5d: {  	_ =	shalt  }
0x5e: {  	_ =	shalt  }
0x5f: {  	_ =	shalt  }
0x60: {  	_ =	shalt  }
0x61: {  	_ =	shalt  }
0x62: {  	_ =	shalt  }
0x63: {  	_ =	shalt  }
0x64: {  	_ =	shalt  }
0x65: {  	_ =	shalt  }
0x66: {  	_ =	shalt  }
0x67: {  	_ =	shalt  }
0x68: {  	_ =	shalt  }
0x69: {  	_ =	shalt  }
0x6a: {  	_ =	shalt  }
0x6b: {  	_ =	shalt  }
0x6c: {  	_ =	shalt  }
0x6d: {  	_ =	shalt  }
0x6e: {  	_ =	shalt  }
0x6f: {  	_ =	shalt  }
0x70: {  	_ =	shalt  }
0x71: {  	_ =	shalt  }
0x72: {  	_ =	shalt  }
0x73: {  	_ =	shalt  }
0x74: {  	_ =	shalt  }
0x75: {  	_ =	shalt  }
0x76: {  	_ =	shalt  }
0x77: {  	_ =	shalt  }
0x78: {  	_ =	shalt  }
0x79: {  	_ =	shalt  }
0x7a: {  	_ =	shalt  }
0x7b: {  	_ =	shalt  }
0x7c: {  	_ =	shalt  }
0x7d: {  	_ =	shalt  }
0x7e: {  	_ =	shalt  }
0x7f: {  	_ =	shalt  }
0x80: {  	_ =	shalt  }
0x81: {  	_ =	shalt  }
0x82: {  	_ =	shalt  }
0x83: {  	_ =	shalt  }
0x84: {  	_ =	shalt  }
0x85: {  	_ =	shalt  }
0x86: {  	_ =	shalt  }
0x87: {  	_ =	shalt  }
.Lfunc_end0:
.L_simem_size_0:
called_computation.1_lowered:
.L_overlay_start_0:
0x88: {  	s2 =	sld [smem:$0x3FD9]  }
0x89: {  	s3 =	sld [smem:$0x3FFE];
	_ =	sdelay $0x1  }
0x8a: {  	s1 =	srdreg.scid  }
0x8b: {  	s0 =	sand.u32 $0x1, s1  }
0x8c: {  	s17 =	sshll.u32 s0, $0xA;
	s2 =	sadd.s32 s3, s2  }
0x8d: {  	s2 =	sadd.s32 s2, s17  }
0x8e: {  	[smem:$0x3FC6] =	sst s2  }
0x8f: {  	_ = 	snop  }
0x90: {  	s2 =	sld [smem:$0x3FD0];
	(tm) =	ssettm $0x1  }
0x91: {  	s18 =	sld [smem:$0x3FFB];
	_ =	sdelay $0x3  }
0x92: {  	_ =	strace s18  }
0x93: {  	s3 =	sld [smem:$0x3FFC];
	_ =	sdelay $0x3  }
0x94: {  	_ =	strace s3  }
0x95: {  	s3 =	sld [smem:$0x3FFD];
	_ =	sdelay $0x3  }
0x96: {  	_ =	strace s3  }
0x97: {  	_ =	strace $0x8FFFFFFF  }
0x98: {  	s19 =	sld [smem:$0x3FDB];
	_ =	sdelay $0x1  }
0x99: {  	s4 =	simm.s32 $_scs_section_size  }
0x9a: {  	s5 =	simm.s32 $_size__tile_overlayer_lowered;
	s6 =	simm.s32 $_tile_overlayer_lowered  }
0x9b: {  	s22 =	simm.s32 $0x1BFF;
	s21 =	sshll.u32 s6, $0x1;
	s3 =	sadd.s32 s4, s19  }
0x9c: {  	s7 =	simm.s32 $0x0;
	s20 =	sshll.u32 s5, $0x1;
	s5 =	sadd.s32 s21, s3  }
0x9d: {  	[timem:s7], [sflag:s22] =	dma.local [hbm:s5], s20  }
0x9e: {  	_ =	swait.ge [sflag:s22], s20  }
0x9f: {  	s4 =	ssub.s32 $0x0, s20;
	[sflag:s22] =	ssyncset.done $0x0  }
0xa0: {  	[sflag:s22] =	ssyncadd.s32 s4;
	_ =	sdelay $0x1  }
0xa1: {  	s23 =	simm.s32 $0x1B8B  }
0xa2: {  	_ =	swait.ge [sflag:s23], $0x1  }
0xa3: {  	[sflag:s23] =	ssyncset.done $0x0  }
0xa4: {  	s25 =	simm.s32 $0x1B8E;
	s24 =	sld [smem:$0x3FFE];
	[sflag:s23] =	ssyncadd.s32 $0xFFFFFFFF  }
0xa5: {  	s26 =	simm.s32 $execute0_lowered;
	[smem:$0x3FD2] =	sst s25  }
0xa6: {  	s5 =	sshll.u32 s26, $0x1;
	_ =	strace $0x80000046;
	[dreg:$0x1] =	wrdreg $0xFFFFFFFF  }
0xa7: {  	s28 =	simm.s32 $_size_execute0_lowered;
	s3 =	sadd.s32 s3, s5;
	[dreg:$0x0] =	wrdreg $0x0  }
0xa8: {  	s5 =	sshll.u32 s28, $0x1;
	[dreg:$0x2] =	wrdreg s3  }
0xa9: {  	[dreg:$0x3] =	wrdreg s5  }
0xaa: {  	[dreg:$0x4] =	wrdreg $0xC0  }
0xab: {  	_ =	task [dreg:s7], $0x5FFFF  }
0xac: {  	[dreg:$0x1] =	wrdreg $0xFFFFFFFF  }
0xad: {  	[dreg:$0x0] =	wrdreg $0x60  }
0xae: {  	[dreg:$0x2] =	wrdreg s24  }
0xaf: {  	[dreg:$0x3] =	wrdreg s2  }
0xb0: {  	[dreg:$0x4] =	wrdreg $0x9  }
0xb1: {  	_ =	task.clear_ibuf [dreg:s7], $0x5FFFF;
	_ =	strace $0x90000046  }
0xb2: {  	s29 =	simm.s32 $0x9;
	_ =	strace $0x80000048  }
0xb3: {  	_ =	swait.ge [sflag:s29], $0x1  }
0xb4: {  	[sflag:s29] =	ssyncadd.s32 $0xFFFFFFFF  }
0xb5: {  	_ =	strace $0x90000048  }
0xb6: {  	_ =	sfence  }
0xb7: {  	s30 =	sld [smem:$0x0];
	_ =	sdelay $0x2  }
0xb8: {  	s31 =	sshll.u32 s1, $0xD;
	s1 =	sshrl.u32 s1, $0x2  }
0xb9: {  	s3 =	sand.u32 $0x4000, s31;
	s1 =	sadd.s32 s1, s30  }
0xba: {  	s0 =	sor.u32 s3, s0;
	s1 =	sshll.u32 s1, $0x11  }
0xbb: {  	s0 =	sor.u32 s1, s0  }
0xbc: {  	s0 =	sadd.s32 $0x8F2B, s0  }
0xbd: {  	[sflag:s0] =	ssyncadd.remote.s32 $0x1  }
0xbe: {  	_ =	sfence.sel $0xFFFF  }
0xbf: {  	[dreg:$0x0] =	wrdreg $0xFFFFFFFF;
	(pc) =	sbr.abs _section_cstart, $3  }
0xc0: {  	[dreg:$0x1] =	wrdreg $0xFFFFFFFF  }
0xc1: {  	_ =	task.clear_ibuf [dreg:s7], $0x2FFFF;
	_ =	strace $0x9FFFFFFF  }
0xc2: {  	(tm) =	ssettm $0x7FFFFFFF  }
0xc3: {  	_ =	shalt  }
tec
execute0_lowered:
.L_overlay_start_1:
0x0: {  	(tag) =	ssettag $0x1  }
0x1: {  	s0 =	srdreg.scid  }
0x2: {  	s1 =	sshll.u32 s0, $0x4  }
0x3: {  	s0 =	stileid.u32;
	s1 =	sand.u32 $0x10, s1  }
0x4: {  	s2 =	sor.u32 s0, s1  }
0x5: {  	s3 =	smin.u32 s2, $0x10  }
0x6: {  	s1 =	sshll.u32 s1, $0x4;
	s2 =	sshll.u32 s2, $0x9;
	s3 =	sshll.u32 s3, $0x8  }
0x7: {  	s9 =	rddreg [dreg:$0x0];
	s1 =	sxor.u32 $0x300, s1;
	s2 =	sadd.s32 s2, s3  }
0x8: {  	s6 =	simm.s32 $0x1;
	s7 =	simm.s32 $0x2;
	s1 =	sadd.s32 s1, s2  }
0x9: {  	s10 =	simm.s32 $0x3;
	s13 =	simm.s32 $0x0;
	s4 =	smin.u32 s1, $0x5000  }
0xa: {  	s12 =	simm.s32 $0x0;
	s5 =	sadd.s32 $0x1C0000, s9;
	s8 =	ssub.s32 s4, s2  }
.Ltmp0:
0xb: {  	s3 =	rddreg [dreg:$0x1];
	p0 =	sgt.s32 s8, $0x0;
	(pc) =	sbr.rel .LBB2_1-.Ltmp0, $4  }
0xc: {  	s1 =	rddreg [dreg:$0x2];
	_ =	strace $0x80000047;
	s8 =	simm.s32 @!p0 $0x0  }
0xd: {  	s9 =	sadd.s32 $0x37000, s9;
	[sflag:s6] =	ssyncpa.u1 $0x0;
	s8 =	sadd.s32 $0xFF, s8  }
0xe: {  	s11 =	smov.u32 s2;
	[sflag:s7] =	ssyncpa.u1 $0x0;
	s8 =	sshrl.u32 s8, $0x8  }
0xf: {  	vm0 =	vmmov $0xff;
	vm1 =	vcmask $0x3F20;
	[sflag:s10] =	ssyncpa.u1 $0x0;
	p0 =	por $0x0, $0x0;
	s10 =	sadd.s32 $0x1, s8  }
.LBB2_6:
0x10: {  	[hbm:s17] =	stream.linear.scatter [tilespmem:s14], [sflag:$0x3], $0x400, $0x38;
	[tilespmem:$0x10200] =	vst v63  }
.LBB2_7:
0x11: {  	s13 =	sadd.s32 $0x100, s11  }
0x12: {  	s15 =	smov.u32 s2;
	p2 =	slt.s32 s13, s4  }
0x13: {  	s15 =	smov.u32 @p2 s13;
	p2 =	sne.s32 s12, s10  }
.Ltmp1:
0x14: {  	p1 =	slt.u32 s12, $0x2;
	(pc) =	sbr.rel @!p2 .LBB2_8-.Ltmp1, $4  }
0x15: {  	s14 =	simm.s32 @!p1 $0x3  }
0x16: {  	s16 =	sadd.s32 $0x1, s12;
	_ =	swait.ge @!p1 [sflag:s14], $0x8000  }
0x17: {  	p0 =	por !p0, !p0;
	s13 =	smov.u32 s11;
	[sflag:s14] =	ssyncset.done @!p1 $0x0  }
0x18: {  	s12 =	smov.u32 s16;
	s11 =	smov.u32 s15;
	[sflag:s14] =	ssyncadd.s32 @!p1 $0xFFFF8000  }
.LBB2_1:
0x19: {  	p1 =	sge.u32 s12, s8  }
0x1a: {  	s14 =	sxor.u32 @!p1 $0xFFFFFFFF, s12  }
0x1b: {  	s31 =	sadd.s32 $0xFFFFFFFF, s12;
	s15 =	sshrl.u32 @!p1 s11, $0x3;
	s14 =	sshll.u32 @!p1 s14, $0x8  }
0x1c: {  	s16 =	sand.u32 @!p1 $0x7, s11;
	s15 =	sadd.s32 @!p1 s3, s15;
	s14 =	sand.u32 @!p1 $0x100, s14  }
0x1d: {  	[tilespmem:s14], [sflag:$0x2] =	stream.linear.gather @!p1 [hbm4b:s15+s16], $0x100, $0x38;
	[tilespmem:$0x10200] =	vst v63  }
0x1e: {  	p1 =	sge.u32 s31, s8  }
.Ltmp2:
0x1f: {  	_ = 	snop;
	(pc) =	sbr.rel @p1 .LBB2_7-.Ltmp2, $1  }
0x20: {  	_ =	sdelay $0x3  }
0x21: {  	s14 =	simm.s32 $0x1  }
0x22: {  	_ =	swait.ge [sflag:s7], $0x100;
	s14 =	simm.s32 @!p0 $0x0  }
0x23: {  	[sflag:s7] =	ssyncset.done $0x0;
	s16 =	sshll.u32 s14, $0x8  }
0x24: {  	[sflag:s7] =	ssyncadd.s32 $0xFFFFFF00;
	s15 =	sadd.s32 $0x0, s16  }
0x25: {  	v0 =	vld.msk [tilespmem:s15+$0x0 ss:$0x1], $0xffff;
	_ =	sdelay $0x4  }
0x26: {  	v1 =	vshrl.u32 v0, $0x3  }
0x27: {  	vm2 =	veq.s32 v0, $0x80000000;
	v0 =	vshll.u32 v0, $0xE;
	v1 =	vand.u32 $0x3F80, v1  }
0x28: {  	v0 =	vand.u32 $0xFFC000, v0;
	v1 =	vsel vm2, $0xFFFFFF80, v1  }
0x29: {  	v0 =	vsel vm2, $0xFFFFC000, v0;
	v2 =	vand.u32 $0xFFFFFC00, v1  }
0x2a: {  	v1 =	vand.u32 $0x380, v1;
	v0 =	vadd.s32 v0, v2  }
0x2b: {  	v0 =	vor.u32 v1, v0  }
0x2c: {  	v0 =	vshrl.u32 v0, $0x3;
	_ =	sdelay $0x2  }
0x2d: {  	s14 =	sshll.u32 s14, $0xF  }
0x2e: {  	s14 =	sor.u32 $0x200, s14  }
0x2f: {  	[tilespmem:s14], [sflag:$0x1] =	stream.indirect_vreg.gather [hbm:s5], $0x80, v0, vm0, $0x38;
	[tilespmem:$0x10200] =	vst v63  }
0x30: {  	s17 =	sadd.s32 $0x10, s16;
	s15 =	sadd.s32 $0x400, s14  }
0x31: {  	[tilespmem:s15], [sflag:$0x1] =	stream.indirect_vreg.gather [hbm:s5], $0x80, v0, vm1, $0x38;
	[tilespmem:$0x10200] =	vst v63  }
0x32: {  	s18 =	simm.s32 $0x80;
	v0 =	vld.msk [tilespmem:s17+$0x0 ss:$0x1], $0xffff;
	s17 =	smov.u32 s14  }
.LBB2_3:
0x33: {  	p1 =	sne.s32 s18, $0x3C0;
	_ =	sdelay $0x4  }
0x34: {  	v1 =	vshrl.u32 v0, $0x3  }
0x35: {  	vm2 =	veq.s32 v0, $0x80000000;
	v0 =	vshll.u32 v0, $0xE;
	v1 =	vand.u32 $0x3F80, v1  }
0x36: {  	v0 =	vand.u32 $0xFFC000, v0;
	v1 =	vsel vm2, $0xFFFFFF80, v1  }
0x37: {  	v0 =	vsel vm2, $0xFFFFC000, v0;
	v2 =	vand.u32 $0xFFFFFC00, v1  }
0x38: {  	v1 =	vand.u32 $0x380, v1;
	v0 =	vadd.s32 v0, v2  }
0x39: {  	v0 =	vor.u32 v1, v0  }
0x3a: {  	v0 =	vshrl.u32 v0, $0x3;
	_ =	sdelay $0x3  }
.Ltmp3:
0x3b: {  	s19 =	sshra.s32 s18, $0x2;
	s17 =	sadd.s32 $0x800, s17;
	(pc) =	sbr.rel @p1 .LBB2_3-.Ltmp3, $4  }
0x3c: {  	[tilespmem:s17], [sflag:$0x1] =	stream.indirect_vreg.gather [hbm:s5], $0x80, v0, vm0, $0x38;
	[tilespmem:$0x10200] =	vst v63  }
0x3d: {  	s19 =	sadd.s32 s19, s16;
	s20 =	sadd.s32 $0x400, s17  }
0x3e: {  	[tilespmem:s20], [sflag:$0x1] =	stream.indirect_vreg.gather [hbm:s5], $0x80, v0, vm1, $0x38;
	[tilespmem:$0x10200] =	vst v63  }
0x3f: {  	s18 =	sadd.s32 $0x40, s18;
	v0 =	vld.msk [tilespmem:s19+$0x0 ss:$0x1], $0xffff  }
0x40: {  	_ =	sdelay $0x3  }
0x41: {  	v1 =	vshrl.u32 v0, $0x3  }
0x42: {  	vm2 =	veq.s32 v0, $0x80000000;
	v63 =	vshll.u32 v0, $0xE;
	v1 =	vand.u32 $0x3F80, v1  }
0x43: {  	v0 =	vand.u32 $0xFFC000, v63;
	v1 =	vsel vm2, $0xFFFFFF80, v1  }
0x44: {  	v0 =	vsel vm2, $0xFFFFC000, v0;
	v2 =	vand.u32 $0xFFFFFC00, v1  }
0x45: {  	v1 =	vand.u32 $0x380, v1;
	v0 =	vadd.s32 v0, v2  }
0x46: {  	v0 =	vor.u32 v1, v0  }
0x47: {  	v0 =	vshrl.u32 v0, $0x3;
	_ =	sdelay $0x3  }
0x48: {  	s16 =	sadd.s32 $0x800, s17  }
0x49: {  	[tilespmem:s16], [sflag:$0x1] =	stream.indirect_vreg.gather [hbm:s5], $0x80, v0, vm0, $0x38;
	[tilespmem:$0x10200] =	vst v63  }
0x4a: {  	s16 =	sadd.s32 $0x400, s16  }
0x4b: {  	[tilespmem:s16], [sflag:$0x1] =	stream.indirect_vreg.gather [hbm:s5], $0x80, v0, vm1, $0x38;
	[tilespmem:$0x10200] =	vst v63  }
0x4c: {  	s13 =	sshll.u32 s13, $0x4;
	_ =	swait.ge [sflag:s6], $0x8000  }
0x4d: {  	s13 =	sadd.s32 s13, s9;
	[sflag:s6] =	ssyncset.done $0x0  }
0x4e: {  	s17 =	sadd.s32 $0x0, s13;
	s16 =	simm.s32 $0x80;
	[sflag:s6] =	ssyncadd.s32 $0xFFFF8000  }
.LBB2_5:
0x4f: {  	[hbm:s17] =	stream.linear.scatter [tilespmem:s14], [sflag:$0x3], $0x400, $0x38;
	[tilespmem:$0x10200] =	vst v63  }
0x50: {  	s17 =	smov.u32 s16;
	s14 =	smov.u32 s15;
	p1 =	sne.s32 s16, $0xF80  }
.Ltmp4:
0x51: {  	s16 =	sadd.s32 $0x80, s16;
	(pc) =	sbr.rel @p1 .LBB2_5-.Ltmp4, $2  }
0x52: {  	_ =	sdelay $0x2  }
0x53: {  	s15 =	sadd.s32 $0x400, s15;
	s17 =	sadd.s32 s17, s13  }
.Ltmp5:
0x54: {  	_ = 	snop;
	(pc) =	sbr.rel .LBB2_6-.Ltmp5, $1  }
0x55: {  	_ =	sdelay $0x3  }
.LBB2_8:
0x56: {  	_ =	sfence.sel $0x180000  }
0x57: {  	s2 =	simm.s32 $0x2;
	[bflag:$0x0] =	sbarrier.arrive $0xFFFF  }
0x58: {  	s30 =	simm.s32 $0x3;
	[sflag:s2] =	ssyncpa.u1 $0x1  }
0x59: {  	s31 =	simm.s32 $0x1;
	[sflag:s30] =	ssyncpa.u1 $0x1  }
0x5a: {  	[sflag:s31] =	ssyncpa.u1 $0x1  }
0x5b: {  	p0 =	sne.s32 s0, $0x0;
	_ =	strace $0x90000047  }
0x5c: {  	s0 =	sadd.s32 @!p0 $0x100000, s1;
	[bflag:$0x2] =	sbarrier.arrive $0xFFFF  }
0x5d: {  	[sflag:s0] =	ssyncadd.tile.s32 @!p0 $0x1;
	_ =	shalt  }
.Lfunc_end2:
_tile_overlayer_lowered:
.L_overlay_start_2:
0x5e: {  	(tag) =	ssettag $0x2  }
0x5f: {  	s0 =	rddreg [dreg:$0x0];
	s2 =	stileid.u32  }
0x60: {  	s1 =	rddreg [dreg:$0x1];
	p0 =	sne.s32 s2, $0x0  }
0x61: {  	s3 =	rddreg [dreg:$0x2];
	[bflag:$0x3] =	sbarrier.arrive $0xFFFF;
	s2 =	simm.s32 @!p0 $0x1C01  }
0x62: {  	[timem:s3], [sflag:s2] =	dma.local @!p0 [hbm:s0], s1  }
0x63: {  	s0 =	simm.s32 @!p0 $0x1  }
0x64: {  	_ =	swait.ge @!p0 [sflag:s0], s1  }
0x65: {  	s1 =	ssub.s32 @!p0 $0x0, s1;
	[sflag:s0] =	ssyncset.done @!p0 $0x0  }
0x66: {  	[sflag:s0] =	ssyncadd.s32 @!p0 s1  }
0x67: {  	[bflag:$0x3] =	sbarrier.arrive $0xFFFF  }
0x68: {  	_ =	shalt  }

// kernel: gather_offload_async_start
scs
__scs_entry_jumppad:
0x0: {  	(pc) =	sbr.rel $0x88, $3  }
0x1: {  	(tag) =	ssettag $0x0;
	lr =	simm.s32 $0x1  }
0x2: {  	[smem:$0x3F9F] =	sst lr;
	_ =	strace $0xD0000000  }
0x3: {  	_ = 	snop  }
0x4: {  	_ = 	snop  }
0x5: {  	_ = 	snop  }
0x6: {  	_ = 	snop  }
0x7: {  	_ = 	snop  }
__scs_overlays_trampoline_lowered:
0x8: {  	[smem:$0x3FAE] =	sst s0  }
0x9: {  	[smem:$0x3FAF] =	sst s1  }
0xa: {  	[smem:$0x3FB0] =	sst s2  }
0xb: {  	[smem:$0x3FB1] =	sst s3  }
0xc: {  	[smem:$0x3FB2] =	sst s4  }
0xd: {  	[smem:$0x3FB3] =	sst s5  }
0xe: {  	[smem:$0x3FB4] =	sst s6  }
0xf: {  	[smem:$0x3FB5] =	sst s7  }
0x10: {  	[smem:$0x3FB6] =	sst s8  }
0x11: {  	[smem:$0x3FB7] =	sst s9;
	s0 =	simm.s32 @!p0 $0x0  }
0x12: {  	s1 =	sld [smem:$0x3F9D];
	s0 =	simm.s32 @p0 $0x1  }
0x13: {  	[smem:$0x3FB8] =	sst s0;
	s0 =	simm.s32 @!p1 $0x0  }
0x14: {  	s2 =	sld [smem:$0x3F9C];
	s0 =	simm.s32 @p1 $0x1  }
0x15: {  	[smem:$0x3FB9] =	sst s0;
	s0 =	simm.s32 @!p2 $0x0  }
0x16: {  	s3 =	sld [smem:$0x3FDB];
	s0 =	simm.s32 @p2 $0x1  }
0x17: {  	s4 =	simm.s32 $0x1BF5;
	[smem:$0x3FBB] =	sst s0  }
0x18: {  	s0 =	sld [smem:$0x3F9E];
	_ =	swait.ge [sflag:s4], $0x0  }
0x19: {  	s7 =	sld [smem:$0x3F9F]  }
0x1a: {  	s8 =	sadd.s32 $0xFFFFE003, lr  }
0x1b: {  	s9 =	sadd.s32 $0xFFFFFEF7, lr;
	s5 =	simm.s32 $0xFFFFFFFF;
	p2 =	slt.u32 s8, $0xFFFFF086  }
0x1c: {  	p1 =	slt.u32 s9, $0xF7A;
	s5 =	simm.s32 @!p2 $0x0  }
0x1d: {  	s5 =	simm.s32 @p1 $0x1;
	p0 =	seq.s32 s7, s2  }
0x1e: {  	s7 =	smul.u32 @!p0 $0xF7A, s2;
	p2 =	seq.s32 @!p0 s5, $0x0  }
0x1f: {  	s9 =	smul.u32 $0xF7A, s1;
	s8 =	simm.s32 @!p0 $0x1BF5;
	p2 =	por !p2, p0  }
0x20: {  	[sflag:s8] =	ssyncset.s32 @!p0 $0xFFFFF086;
	s6 =	sadd.s32 @!p0 s3, s7;
	s7 =	simm.s32 @!p0 $0x108  }
0x21: {  	s3 =	sadd.s32 s3, s9;
	s6 =	sadd.s32 @!p0 $0x88, s6;
	s7 =	simm.s32 @p2 $0x1082  }
0x22: {  	[simem:s7], [sflag:s8] =	dma.local @!p0 [hbm:s6], $0xF7A  }
0x23: {  	s9 =	sor.u32 $0xD0000000, s2;
	s6 =	simm.s32 $0x108;
	_ =	swait.ge @!p0 [sflag:s8], $0x0  }
0x24: {  	s3 =	sadd.s32 $0x88, s3;
	s6 =	simm.s32 @!p1 $0x1082;
	[sflag:s4] =	ssyncset.s32 $0xFFFFF086  }
0x25: {  	[simem:s6], [sflag:s4] =	dma.local [hbm:s3], $0xF7A  }
0x26: {  	[smem:$0x3F9F] =	sst s1;
	(tag) =	ssettag s2;
	_ =	strace s9  }
0x27: {  	s1 =	sld [smem:$0x3FAF]  }
0x28: {  	s2 =	sld [smem:$0x3FB0]  }
0x29: {  	s4 =	sld [smem:$0x3FB2]  }
0x2a: {  	p0 =	seq.s32 s5, $0x0;
	s5 =	sld [smem:$0x3FB3]  }
0x2b: {  	s6 =	sld [smem:$0x3FB4]  }
0x2c: {  	s7 =	sld [smem:$0x3FB5]  }
0x2d: {  	s3 =	simm.s32 $0x108;
	s8 =	sld [smem:$0x3FB6]  }
0x2e: {  	s3 =	simm.s32 @!p0 $0x1082;
	s9 =	sld [smem:$0x3FB7]  }
0x2f: {  	lr =	sadd.s32 s0, s3;
	s0 =	sld [smem:$0x3FAE]  }
0x30: {  	s3 =	sld [smem:$0x3FB1]  }
0x31: {  	[smem:$0x3FBA] =	sst s10  }
0x32: {  	s10 =	sld [smem:$0x3FB8];
	_ =	sdelay $0x3  }
0x33: {  	p0 =	seq.s32 s10, $0x1;
	s10 =	sld [smem:$0x3FBA];
	_ =	sdelay $0x3  }
0x34: {  	[smem:$0x3FBA] =	sst s10  }
0x35: {  	s10 =	sld [smem:$0x3FB9];
	_ =	sdelay $0x3  }
0x36: {  	p1 =	seq.s32 s10, $0x1;
	s10 =	sld [smem:$0x3FBA];
	_ =	sdelay $0x3  }
0x37: {  	[smem:$0x3FBA] =	sst s10  }
0x38: {  	s10 =	sld [smem:$0x3FBB]  }
0x39: {  	_ = 	snop;
	(pc) =	sbr.ind lr, $3  }
0x3a: {  	_ = 	snop  }
0x3b: {  	_ = 	snop  }
0x3c: {  	p2 =	seq.s32 s10, $0x1;
	s10 =	sld [smem:$0x3FBA]  }
0x3d: {  	_ =	shalt  }
0x3e: {  	_ =	shalt  }
0x3f: {  	_ =	shalt  }
0x40: {  	_ =	shalt  }
0x41: {  	_ =	shalt  }
0x42: {  	_ =	shalt  }
0x43: {  	_ =	shalt  }
0x44: {  	_ =	shalt  }
0x45: {  	_ =	shalt  }
0x46: {  	_ =	shalt  }
0x47: {  	_ =	shalt  }
0x48: {  	_ =	shalt  }
0x49: {  	_ =	shalt  }
0x4a: {  	_ =	shalt  }
0x4b: {  	_ =	shalt  }
0x4c: {  	_ =	shalt  }
0x4d: {  	_ =	shalt  }
0x4e: {  	_ =	shalt  }
0x4f: {  	_ =	shalt  }
0x50: {  	_ =	shalt  }
0x51: {  	_ =	shalt  }
0x52: {  	_ =	shalt  }
0x53: {  	_ =	shalt  }
0x54: {  	_ =	shalt  }
0x55: {  	_ =	shalt  }
0x56: {  	_ =	shalt  }
0x57: {  	_ =	shalt  }
0x58: {  	_ =	shalt  }
0x59: {  	_ =	shalt  }
0x5a: {  	_ =	shalt  }
0x5b: {  	_ =	shalt  }
0x5c: {  	_ =	shalt  }
0x5d: {  	_ =	shalt  }
0x5e: {  	_ =	shalt  }
0x5f: {  	_ =	shalt  }
0x60: {  	_ =	shalt  }
0x61: {  	_ =	shalt  }
0x62: {  	_ =	shalt  }
0x63: {  	_ =	shalt  }
0x64: {  	_ =	shalt  }
0x65: {  	_ =	shalt  }
0x66: {  	_ =	shalt  }
0x67: {  	_ =	shalt  }
0x68: {  	_ =	shalt  }
0x69: {  	_ =	shalt  }
0x6a: {  	_ =	shalt  }
0x6b: {  	_ =	shalt  }
0x6c: {  	_ =	shalt  }
0x6d: {  	_ =	shalt  }
0x6e: {  	_ =	shalt  }
0x6f: {  	_ =	shalt  }
0x70: {  	_ =	shalt  }
0x71: {  	_ =	shalt  }
0x72: {  	_ =	shalt  }
0x73: {  	_ =	shalt  }
0x74: {  	_ =	shalt  }
0x75: {  	_ =	shalt  }
0x76: {  	_ =	shalt  }
0x77: {  	_ =	shalt  }
0x78: {  	_ =	shalt  }
0x79: {  	_ =	shalt  }
0x7a: {  	_ =	shalt  }
0x7b: {  	_ =	shalt  }
0x7c: {  	_ =	shalt  }
0x7d: {  	_ =	shalt  }
0x7e: {  	_ =	shalt  }
0x7f: {  	_ =	shalt  }
0x80: {  	_ =	shalt  }
0x81: {  	_ =	shalt  }
0x82: {  	_ =	shalt  }
0x83: {  	_ =	shalt  }
0x84: {  	_ =	shalt  }
0x85: {  	_ =	shalt  }
0x86: {  	_ =	shalt  }
0x87: {  	_ =	shalt  }
.Lfunc_end0:
.L_simem_size_0:
called_computation_lowered:
.L_overlay_start_0:
0x88: {  	s2 =	sld [smem:$0x3FD9]  }
0x89: {  	s3 =	sld [smem:$0x3FFE];
	_ =	sdelay $0x1  }
0x8a: {  	s1 =	srdreg.scid  }
0x8b: {  	s0 =	sand.u32 $0x1, s1  }
0x8c: {  	s17 =	sshll.u32 s0, $0xA;
	s2 =	sadd.s32 s3, s2  }
0x8d: {  	s2 =	sadd.s32 s2, s17  }
0x8e: {  	[smem:$0x3FC6] =	sst s2  }
0x8f: {  	_ = 	snop  }
0x90: {  	s2 =	sld [smem:$0x3FD0];
	(tm) =	ssettm $0x1  }
0x91: {  	s18 =	sld [smem:$0x3FFB];
	_ =	sdelay $0x3  }
0x92: {  	_ =	strace s18  }
0x93: {  	s3 =	sld [smem:$0x3FFC];
	_ =	sdelay $0x3  }
0x94: {  	_ =	strace s3  }
0x95: {  	s3 =	sld [smem:$0x3FFD];
	_ =	sdelay $0x3  }
0x96: {  	_ =	strace s3  }
0x97: {  	_ =	strace $0x8FFFFFFF  }
0x98: {  	s19 =	sld [smem:$0x3FDB];
	_ =	sdelay $0x1  }
0x99: {  	s4 =	simm.s32 $_scs_section_size  }
0x9a: {  	s5 =	simm.s32 $_size__tile_overlayer_lowered;
	s6 =	simm.s32 $_tile_overlayer_lowered  }
0x9b: {  	s22 =	simm.s32 $0x1BFF;
	s21 =	sshll.u32 s6, $0x1;
	s3 =	sadd.s32 s4, s19  }
0x9c: {  	s7 =	simm.s32 $0x0;
	s20 =	sshll.u32 s5, $0x1;
	s5 =	sadd.s32 s21, s3  }
0x9d: {  	[timem:s7], [sflag:s22] =	dma.local [hbm:s5], s20  }
0x9e: {  	_ =	swait.ge [sflag:s22], s20  }
0x9f: {  	s4 =	ssub.s32 $0x0, s20;
	[sflag:s22] =	ssyncset.done $0x0  }
0xa0: {  	[sflag:s22] =	ssyncadd.s32 s4;
	_ =	sdelay $0x1  }
0xa1: {  	s23 =	simm.s32 $0x1B8B  }
0xa2: {  	_ =	swait.ge [sflag:s23], $0x1  }
0xa3: {  	[sflag:s23] =	ssyncset.done $0x0  }
0xa4: {  	s25 =	simm.s32 $0x1B8E;
	s24 =	sld [smem:$0x3FFE];
	[sflag:s23] =	ssyncadd.s32 $0xFFFFFFFF  }
0xa5: {  	s26 =	simm.s32 $execute0_lowered;
	[smem:$0x3FD2] =	sst s25  }
0xa6: {  	s5 =	sshll.u32 s26, $0x1;
	_ =	strace $0x80000049;
	[dreg:$0x1] =	wrdreg $0xFFFFFFFF  }
0xa7: {  	s28 =	simm.s32 $_size_execute0_lowered;
	s3 =	sadd.s32 s3, s5;
	[dreg:$0x0] =	wrdreg $0x0  }
0xa8: {  	s5 =	sshll.u32 s28, $0x1;
	[dreg:$0x2] =	wrdreg s3  }
0xa9: {  	[dreg:$0x3] =	wrdreg s5  }
0xaa: {  	[dreg:$0x4] =	wrdreg $0xC0  }
0xab: {  	_ =	task [dreg:s7], $0x5FFFF  }
0xac: {  	[dreg:$0x1] =	wrdreg $0xFFFFFFFF  }
0xad: {  	[dreg:$0x0] =	wrdreg $0x60  }
0xae: {  	[dreg:$0x2] =	wrdreg s24  }
0xaf: {  	[dreg:$0x3] =	wrdreg s2  }
0xb0: {  	[dreg:$0x4] =	wrdreg $0x9  }
0xb1: {  	_ =	task.clear_ibuf [dreg:s7], $0x5FFFF;
	_ =	strace $0x90000049  }
0xb2: {  	s29 =	simm.s32 $0x9;
	_ =	strace $0x8000004B  }
0xb3: {  	_ =	swait.ge [sflag:s29], $0x1  }
0xb4: {  	[sflag:s29] =	ssyncadd.s32 $0xFFFFFFFF  }
0xb5: {  	_ =	strace $0x9000004B  }
0xb6: {  	_ =	sfence  }
0xb7: {  	s30 =	sld [smem:$0x0];
	_ =	sdelay $0x2  }
0xb8: {  	s31 =	sshll.u32 s1, $0xD;
	s1 =	sshrl.u32 s1, $0x2  }
0xb9: {  	s3 =	sand.u32 $0x4000, s31;
	s1 =	sadd.s32 s1, s30  }
0xba: {  	s0 =	sor.u32 s3, s0;
	s1 =	sshll.u32 s1, $0x11  }
0xbb: {  	s0 =	sor.u32 s1, s0  }
0xbc: {  	s0 =	sadd.s32 $0x8F2B, s0  }
0xbd: {  	[sflag:s0] =	ssyncadd.remote.s32 $0x1  }
0xbe: {  	_ =	sfence.sel $0xFFFF  }
0xbf: {  	[dreg:$0x0] =	wrdreg $0xFFFFFFFF;
	(pc) =	sbr.abs _section_cstart, $3  }
0xc0: {  	[dreg:$0x1] =	wrdreg $0xFFFFFFFF  }
0xc1: {  	_ =	task.clear_ibuf [dreg:s7], $0x2FFFF;
	_ =	strace $0x9FFFFFFF  }
0xc2: {  	(tm) =	ssettm $0x7FFFFFFF  }
0xc3: {  	_ =	shalt  }
tec
execute0_lowered:
.L_overlay_start_1:
0x0: {  	(tag) =	ssettag $0x1  }
0x1: {  	s0 =	srdreg.scid  }
0x2: {  	s1 =	sshll.u32 s0, $0x4  }
0x3: {  	s0 =	stileid.u32;
	s1 =	sand.u32 $0x10, s1  }
0x4: {  	s2 =	sor.u32 s0, s1  }
0x5: {  	s3 =	smin.u32 s2, $0x10  }
0x6: {  	s1 =	sshll.u32 s1, $0x4;
	s2 =	sshll.u32 s2, $0x9;
	s3 =	sshll.u32 s3, $0x8  }
0x7: {  	s9 =	rddreg [dreg:$0x0];
	s1 =	sxor.u32 $0x300, s1;
	s2 =	sadd.s32 s2, s3  }
0x8: {  	s6 =	simm.s32 $0x1;
	s7 =	simm.s32 $0x2;
	s1 =	sadd.s32 s1, s2  }
0x9: {  	s10 =	simm.s32 $0x3;
	s13 =	simm.s32 $0x0;
	s4 =	smin.u32 s1, $0x5000  }
0xa: {  	s12 =	simm.s32 $0x0;
	s5 =	sadd.s32 $0x548000, s9;
	s8 =	ssub.s32 s4, s2  }
.Ltmp0:
0xb: {  	s3 =	rddreg [dreg:$0x1];
	p0 =	sgt.s32 s8, $0x0;
	(pc) =	sbr.rel .LBB2_1-.Ltmp0, $4  }
0xc: {  	s1 =	rddreg [dreg:$0x2];
	_ =	strace $0x8000004A;
	s8 =	simm.s32 @!p0 $0x0  }
0xd: {  	s9 =	sadd.s32 $0x37000, s9;
	[sflag:s6] =	ssyncpa.u1 $0x0;
	s8 =	sadd.s32 $0xFF, s8  }
0xe: {  	s11 =	smov.u32 s2;
	[sflag:s7] =	ssyncpa.u1 $0x0;
	s8 =	sshrl.u32 s8, $0x8  }
0xf: {  	vm0 =	vmmov $0xff;
	vm1 =	vcmask $0x3F20;
	[sflag:s10] =	ssyncpa.u1 $0x0;
	p0 =	por $0x0, $0x0;
	s10 =	sadd.s32 $0x1, s8  }
.LBB2_6:
0x10: {  	[hbm:s17] =	stream.linear.scatter [tilespmem:s14], [sflag:$0x3], $0x400, $0x38;
	[tilespmem:$0x10200] =	vst v63  }
.LBB2_7:
0x11: {  	s13 =	sadd.s32 $0x100, s11  }
0x12: {  	s15 =	smov.u32 s2;
	p2 =	slt.s32 s13, s4  }
0x13: {  	s15 =	smov.u32 @p2 s13;
	p2 =	sne.s32 s12, s10  }
.Ltmp1:
0x14: {  	p1 =	slt.u32 s12, $0x2;
	(pc) =	sbr.rel @!p2 .LBB2_8-.Ltmp1, $4  }
0x15: {  	s14 =	simm.s32 @!p1 $0x3  }
0x16: {  	s16 =	sadd.s32 $0x1, s12;
	_ =	swait.ge @!p1 [sflag:s14], $0x8000  }
0x17: {  	p0 =	por !p0, !p0;
	s13 =	smov.u32 s11;
	[sflag:s14] =	ssyncset.done @!p1 $0x0  }
0x18: {  	s12 =	smov.u32 s16;
	s11 =	smov.u32 s15;
	[sflag:s14] =	ssyncadd.s32 @!p1 $0xFFFF8000  }
.LBB2_1:
0x19: {  	p1 =	sge.u32 s12, s8  }
0x1a: {  	s14 =	sxor.u32 @!p1 $0xFFFFFFFF, s12  }
0x1b: {  	s31 =	sadd.s32 $0xFFFFFFFF, s12;
	s15 =	sshrl.u32 @!p1 s11, $0x3;
	s14 =	sshll.u32 @!p1 s14, $0x8  }
0x1c: {  	s16 =	sand.u32 @!p1 $0x7, s11;
	s15 =	sadd.s32 @!p1 s3, s15;
	s14 =	sand.u32 @!p1 $0x100, s14  }
0x1d: {  	[tilespmem:s14], [sflag:$0x2] =	stream.linear.gather @!p1 [hbm4b:s15+s16], $0x100, $0x38;
	[tilespmem:$0x10200] =	vst v63  }
0x1e: {  	p1 =	sge.u32 s31, s8  }
.Ltmp2:
0x1f: {  	_ = 	snop;
	(pc) =	sbr.rel @p1 .LBB2_7-.Ltmp2, $1  }
0x20: {  	_ =	sdelay $0x3  }
0x21: {  	s14 =	simm.s32 $0x1  }
0x22: {  	_ =	swait.ge [sflag:s7], $0x100;
	s14 =	simm.s32 @!p0 $0x0  }
0x23: {  	[sflag:s7] =	ssyncset.done $0x0;
	s16 =	sshll.u32 s14, $0x8  }
0x24: {  	[sflag:s7] =	ssyncadd.s32 $0xFFFFFF00;
	s15 =	sadd.s32 $0x0, s16  }
0x25: {  	v0 =	vld.msk [tilespmem:s15+$0x0 ss:$0x1], $0xffff;
	_ =	sdelay $0x4  }
0x26: {  	v1 =	vshrl.u32 v0, $0x3  }
0x27: {  	vm2 =	veq.s32 v0, $0x80000000;
	v0 =	vshll.u32 v0, $0xE;
	v1 =	vand.u32 $0x3F80, v1  }
0x28: {  	v0 =	vand.u32 $0xFFC000, v0;
	v1 =	vsel vm2, $0xFFFFFF80, v1  }
0x29: {  	v0 =	vsel vm2, $0xFFFFC000, v0;
	v2 =	vand.u32 $0xFFFFFC00, v1  }
0x2a: {  	v1 =	vand.u32 $0x380, v1;
	v0 =	vadd.s32 v0, v2  }
0x2b: {  	v0 =	vor.u32 v1, v0  }
0x2c: {  	v0 =	vshrl.u32 v0, $0x3;
	_ =	sdelay $0x2  }
0x2d: {  	s14 =	sshll.u32 s14, $0xF  }
0x2e: {  	s14 =	sor.u32 $0x200, s14  }
0x2f: {  	[tilespmem:s14], [sflag:$0x1] =	stream.indirect_vreg.gather [hbm:s5], $0x80, v0, vm0, $0x38;
	[tilespmem:$0x10200] =	vst v63  }
0x30: {  	s17 =	sadd.s32 $0x10, s16;
	s15 =	sadd.s32 $0x400, s14  }
0x31: {  	[tilespmem:s15], [sflag:$0x1] =	stream.indirect_vreg.gather [hbm:s5], $0x80, v0, vm1, $0x38;
	[tilespmem:$0x10200] =	vst v63  }
0x32: {  	s18 =	simm.s32 $0x80;
	v0 =	vld.msk [tilespmem:s17+$0x0 ss:$0x1], $0xffff;
	s17 =	smov.u32 s14  }
.LBB2_3:
0x33: {  	p1 =	sne.s32 s18, $0x3C0;
	_ =	sdelay $0x4  }
0x34: {  	v1 =	vshrl.u32 v0, $0x3  }
0x35: {  	vm2 =	veq.s32 v0, $0x80000000;
	v0 =	vshll.u32 v0, $0xE;
	v1 =	vand.u32 $0x3F80, v1  }
0x36: {  	v0 =	vand.u32 $0xFFC000, v0;
	v1 =	vsel vm2, $0xFFFFFF80, v1  }
0x37: {  	v0 =	vsel vm2, $0xFFFFC000, v0;
	v2 =	vand.u32 $0xFFFFFC00, v1  }
0x38: {  	v1 =	vand.u32 $0x380, v1;
	v0 =	vadd.s32 v0, v2  }
0x39: {  	v0 =	vor.u32 v1, v0  }
0x3a: {  	v0 =	vshrl.u32 v0, $0x3;
	_ =	sdelay $0x3  }
.Ltmp3:
0x3b: {  	s19 =	sshra.s32 s18, $0x2;
	s17 =	sadd.s32 $0x800, s17;
	(pc) =	sbr.rel @p1 .LBB2_3-.Ltmp3, $4  }
0x3c: {  	[tilespmem:s17], [sflag:$0x1] =	stream.indirect_vreg.gather [hbm:s5], $0x80, v0, vm0, $0x38;
	[tilespmem:$0x10200] =	vst v63  }
0x3d: {  	s19 =	sadd.s32 s19, s16;
	s20 =	sadd.s32 $0x400, s17  }
0x3e: {  	[tilespmem:s20], [sflag:$0x1] =	stream.indirect_vreg.gather [hbm:s5], $0x80, v0, vm1, $0x38;
	[tilespmem:$0x10200] =	vst v63  }
0x3f: {  	s18 =	sadd.s32 $0x40, s18;
	v0 =	vld.msk [tilespmem:s19+$0x0 ss:$0x1], $0xffff  }
0x40: {  	_ =	sdelay $0x3  }
0x41: {  	v1 =	vshrl.u32 v0, $0x3  }
0x42: {  	vm2 =	veq.s32 v0, $0x80000000;
	v63 =	vshll.u32 v0, $0xE;
	v1 =	vand.u32 $0x3F80, v1  }
0x43: {  	v0 =	vand.u32 $0xFFC000, v63;
	v1 =	vsel vm2, $0xFFFFFF80, v1  }
0x44: {  	v0 =	vsel vm2, $0xFFFFC000, v0;
	v2 =	vand.u32 $0xFFFFFC00, v1  }
0x45: {  	v1 =	vand.u32 $0x380, v1;
	v0 =	vadd.s32 v0, v2  }
0x46: {  	v0 =	vor.u32 v1, v0  }
0x47: {  	v0 =	vshrl.u32 v0, $0x3;
	_ =	sdelay $0x3  }
0x48: {  	s16 =	sadd.s32 $0x800, s17  }
0x49: {  	[tilespmem:s16], [sflag:$0x1] =	stream.indirect_vreg.gather [hbm:s5], $0x80, v0, vm0, $0x38;
	[tilespmem:$0x10200] =	vst v63  }
0x4a: {  	s16 =	sadd.s32 $0x400, s16  }
0x4b: {  	[tilespmem:s16], [sflag:$0x1] =	stream.indirect_vreg.gather [hbm:s5], $0x80, v0, vm1, $0x38;
	[tilespmem:$0x10200] =	vst v63  }
0x4c: {  	s13 =	sshll.u32 s13, $0x4;
	_ =	swait.ge [sflag:s6], $0x8000  }
0x4d: {  	s13 =	sadd.s32 s13, s9;
	[sflag:s6] =	ssyncset.done $0x0  }
0x4e: {  	s17 =	sadd.s32 $0x0, s13;
	s16 =	simm.s32 $0x80;
	[sflag:s6] =	ssyncadd.s32 $0xFFFF8000  }
.LBB2_5:
0x4f: {  	[hbm:s17] =	stream.linear.scatter [tilespmem:s14], [sflag:$0x3], $0x400, $0x38;
	[tilespmem:$0x10200] =	vst v63  }
0x50: {  	s17 =	smov.u32 s16;
	s14 =	smov.u32 s15;
	p1 =	sne.s32 s16, $0xF80  }
.Ltmp4:
0x51: {  	s16 =	sadd.s32 $0x80, s16;
	(pc) =	sbr.rel @p1 .LBB2_5-.Ltmp4, $2  }
0x52: {  	_ =	sdelay $0x2  }
0x53: {  	s15 =	sadd.s32 $0x400, s15;
	s17 =	sadd.s32 s17, s13  }
.Ltmp5:
0x54: {  	_ = 	snop;
	(pc) =	sbr.rel .LBB2_6-.Ltmp5, $1  }
0x55: {  	_ =	sdelay $0x3  }
.LBB2_8:
0x56: {  	_ =	sfence.sel $0x180000  }
0x57: {  	s2 =	simm.s32 $0x2;
	[bflag:$0x0] =	sbarrier.arrive $0xFFFF  }
0x58: {  	s30 =	simm.s32 $0x3;
	[sflag:s2] =	ssyncpa.u1 $0x1  }
0x59: {  	s31 =	simm.s32 $0x1;
	[sflag:s30] =	ssyncpa.u1 $0x1  }
0x5a: {  	[sflag:s31] =	ssyncpa.u1 $0x1  }
0x5b: {  	p0 =	sne.s32 s0, $0x0;
	_ =	strace $0x9000004A  }
0x5c: {  	s0 =	sadd.s32 @!p0 $0x100000, s1;
	[bflag:$0x2] =	sbarrier.arrive $0xFFFF  }
0x5d: {  	[sflag:s0] =	ssyncadd.tile.s32 @!p0 $0x1;
	_ =	shalt  }
.Lfunc_end2:
_tile_overlayer_lowered:
.L_overlay_start_2:
0x5e: {  	(tag) =	ssettag $0x2  }
0x5f: {  	s0 =	rddreg [dreg:$0x0];
	s2 =	stileid.u32  }
0x60: {  	s1 =	rddreg [dreg:$0x1];
	p0 =	sne.s32 s2, $0x0  }
0x61: {  	s3 =	rddreg [dreg:$0x2];
	[bflag:$0x3] =	sbarrier.arrive $0xFFFF;
	s2 =	simm.s32 @!p0 $0x1C01  }
0x62: {  	[timem:s3], [sflag:s2] =	dma.local @!p0 [hbm:s0], s1  }
0x63: {  	s0 =	simm.s32 @!p0 $0x1  }
0x64: {  	_ =	swait.ge @!p0 [sflag:s0], s1  }
0x65: {  	s1 =	ssub.s32 @!p0 $0x0, s1;
	[sflag:s0] =	ssyncset.done @!p0 $0x0  }
0x66: {  	[sflag:s0] =	ssyncadd.s32 @!p0 s1  }
0x67: {  	[bflag:$0x3] =	sbarrier.arrive $0xFFFF  }
0x68: {  	_ =	shalt  }

// kernel: kernel.8.cloned.1.call-start
scs
__scs_entry_jumppad:
0x0: {  	(pc) =	sbr.rel $0x88, $3  }
0x1: {  	(tag) =	ssettag $0x0;
	lr =	simm.s32 $0x1  }
0x2: {  	[smem:$0x3F9F] =	sst lr;
	_ =	strace $0xD0000000  }
0x3: {  	_ = 	snop  }
0x4: {  	_ = 	snop  }
0x5: {  	_ = 	snop  }
0x6: {  	_ = 	snop  }
0x7: {  	_ = 	snop  }
__scs_overlays_trampoline_lowered:
0x8: {  	[smem:$0x3FAE] =	sst s0  }
0x9: {  	[smem:$0x3FAF] =	sst s1  }
0xa: {  	[smem:$0x3FB0] =	sst s2  }
0xb: {  	[smem:$0x3FB1] =	sst s3  }
0xc: {  	[smem:$0x3FB2] =	sst s4  }
0xd: {  	[smem:$0x3FB3] =	sst s5  }
0xe: {  	[smem:$0x3FB4] =	sst s6  }
0xf: {  	[smem:$0x3FB5] =	sst s7  }
0x10: {  	[smem:$0x3FB6] =	sst s8  }
0x11: {  	[smem:$0x3FB7] =	sst s9;
	s0 =	simm.s32 @!p0 $0x0  }
0x12: {  	s1 =	sld [smem:$0x3F9D];
	s0 =	simm.s32 @p0 $0x1  }
0x13: {  	[smem:$0x3FB8] =	sst s0;
	s0 =	simm.s32 @!p1 $0x0  }
0x14: {  	s2 =	sld [smem:$0x3F9C];
	s0 =	simm.s32 @p1 $0x1  }
0x15: {  	[smem:$0x3FB9] =	sst s0;
	s0 =	simm.s32 @!p2 $0x0  }
0x16: {  	s3 =	sld [smem:$0x3FDB];
	s0 =	simm.s32 @p2 $0x1  }
0x17: {  	s4 =	simm.s32 $0x1BF5;
	[smem:$0x3FBB] =	sst s0  }
0x18: {  	s0 =	sld [smem:$0x3F9E];
	_ =	swait.ge [sflag:s4], $0x0  }
0x19: {  	s7 =	sld [smem:$0x3F9F]  }
0x1a: {  	s8 =	sadd.s32 $0xFFFFE003, lr  }
0x1b: {  	s9 =	sadd.s32 $0xFFFFFEF7, lr;
	s5 =	simm.s32 $0xFFFFFFFF;
	p2 =	slt.u32 s8, $0xFFFFF086  }
0x1c: {  	p1 =	slt.u32 s9, $0xF7A;
	s5 =	simm.s32 @!p2 $0x0  }
0x1d: {  	s5 =	simm.s32 @p1 $0x1;
	p0 =	seq.s32 s7, s2  }
0x1e: {  	s7 =	smul.u32 @!p0 $0xF7A, s2;
	p2 =	seq.s32 @!p0 s5, $0x0  }
0x1f: {  	s9 =	smul.u32 $0xF7A, s1;
	s8 =	simm.s32 @!p0 $0x1BF5;
	p2 =	por !p2, p0  }
0x20: {  	[sflag:s8] =	ssyncset.s32 @!p0 $0xFFFFF086;
	s6 =	sadd.s32 @!p0 s3, s7;
	s7 =	simm.s32 @!p0 $0x108  }
0x21: {  	s3 =	sadd.s32 s3, s9;
	s6 =	sadd.s32 @!p0 $0x88, s6;
	s7 =	simm.s32 @p2 $0x1082  }
0x22: {  	[simem:s7], [sflag:s8] =	dma.local @!p0 [hbm:s6], $0xF7A  }
0x23: {  	s9 =	sor.u32 $0xD0000000, s2;
	s6 =	simm.s32 $0x108;
	_ =	swait.ge @!p0 [sflag:s8], $0x0  }
0x24: {  	s3 =	sadd.s32 $0x88, s3;
	s6 =	simm.s32 @!p1 $0x1082;
	[sflag:s4] =	ssyncset.s32 $0xFFFFF086  }
0x25: {  	[simem:s6], [sflag:s4] =	dma.local [hbm:s3], $0xF7A  }
0x26: {  	[smem:$0x3F9F] =	sst s1;
	(tag) =	ssettag s2;
	_ =	strace s9  }
0x27: {  	s1 =	sld [smem:$0x3FAF]  }
0x28: {  	s2 =	sld [smem:$0x3FB0]  }
0x29: {  	s4 =	sld [smem:$0x3FB2]  }
0x2a: {  	p0 =	seq.s32 s5, $0x0;
	s5 =	sld [smem:$0x3FB3]  }
0x2b: {  	s6 =	sld [smem:$0x3FB4]  }
0x2c: {  	s7 =	sld [smem:$0x3FB5]  }
0x2d: {  	s3 =	simm.s32 $0x108;
	s8 =	sld [smem:$0x3FB6]  }
0x2e: {  	s3 =	simm.s32 @!p0 $0x1082;
	s9 =	sld [smem:$0x3FB7]  }
0x2f: {  	lr =	sadd.s32 s0, s3;
	s0 =	sld [smem:$0x3FAE]  }
0x30: {  	s3 =	sld [smem:$0x3FB1]  }
0x31: {  	[smem:$0x3FBA] =	sst s10  }
0x32: {  	s10 =	sld [smem:$0x3FB8];
	_ =	sdelay $0x3  }
0x33: {  	p0 =	seq.s32 s10, $0x1;
	s10 =	sld [smem:$0x3FBA];
	_ =	sdelay $0x3  }
0x34: {  	[smem:$0x3FBA] =	sst s10  }
0x35: {  	s10 =	sld [smem:$0x3FB9];
	_ =	sdelay $0x3  }
0x36: {  	p1 =	seq.s32 s10, $0x1;
	s10 =	sld [smem:$0x3FBA];
	_ =	sdelay $0x3  }
0x37: {  	[smem:$0x3FBA] =	sst s10  }
0x38: {  	s10 =	sld [smem:$0x3FBB]  }
0x39: {  	_ = 	snop;
	(pc) =	sbr.ind lr, $3  }
0x3a: {  	_ = 	snop  }
0x3b: {  	_ = 	snop  }
0x3c: {  	p2 =	seq.s32 s10, $0x1;
	s10 =	sld [smem:$0x3FBA]  }
0x3d: {  	_ =	shalt  }
0x3e: {  	_ =	shalt  }
0x3f: {  	_ =	shalt  }
0x40: {  	_ =	shalt  }
0x41: {  	_ =	shalt  }
0x42: {  	_ =	shalt  }
0x43: {  	_ =	shalt  }
0x44: {  	_ =	shalt  }
0x45: {  	_ =	shalt  }
0x46: {  	_ =	shalt  }
0x47: {  	_ =	shalt  }
0x48: {  	_ =	shalt  }
0x49: {  	_ =	shalt  }
0x4a: {  	_ =	shalt  }
0x4b: {  	_ =	shalt  }
0x4c: {  	_ =	shalt  }
0x4d: {  	_ =	shalt  }
0x4e: {  	_ =	shalt  }
0x4f: {  	_ =	shalt  }
0x50: {  	_ =	shalt  }
0x51: {  	_ =	shalt  }
0x52: {  	_ =	shalt  }
0x53: {  	_ =	shalt  }
0x54: {  	_ =	shalt  }
0x55: {  	_ =	shalt  }
0x56: {  	_ =	shalt  }
0x57: {  	_ =	shalt  }
0x58: {  	_ =	shalt  }
0x59: {  	_ =	shalt  }
0x5a: {  	_ =	shalt  }
0x5b: {  	_ =	shalt  }
0x5c: {  	_ =	shalt  }
0x5d: {  	_ =	shalt  }
0x5e: {  	_ =	shalt  }
0x5f: {  	_ =	shalt  }
0x60: {  	_ =	shalt  }
0x61: {  	_ =	shalt  }
0x62: {  	_ =	shalt  }
0x63: {  	_ =	shalt  }
0x64: {  	_ =	shalt  }
0x65: {  	_ =	shalt  }
0x66: {  	_ =	shalt  }
0x67: {  	_ =	shalt  }
0x68: {  	_ =	shalt  }
0x69: {  	_ =	shalt  }
0x6a: {  	_ =	shalt  }
0x6b: {  	_ =	shalt  }
0x6c: {  	_ =	shalt  }
0x6d: {  	_ =	shalt  }
0x6e: {  	_ =	shalt  }
0x6f: {  	_ =	shalt  }
0x70: {  	_ =	shalt  }
0x71: {  	_ =	shalt  }
0x72: {  	_ =	shalt  }
0x73: {  	_ =	shalt  }
0x74: {  	_ =	shalt  }
0x75: {  	_ =	shalt  }
0x76: {  	_ =	shalt  }
0x77: {  	_ =	shalt  }
0x78: {  	_ =	shalt  }
0x79: {  	_ =	shalt  }
0x7a: {  	_ =	shalt  }
0x7b: {  	_ =	shalt  }
0x7c: {  	_ =	shalt  }
0x7d: {  	_ =	shalt  }
0x7e: {  	_ =	shalt  }
0x7f: {  	_ =	shalt  }
0x80: {  	_ =	shalt  }
0x81: {  	_ =	shalt  }
0x82: {  	_ =	shalt  }
0x83: {  	_ =	shalt  }
0x84: {  	_ =	shalt  }
0x85: {  	_ =	shalt  }
0x86: {  	_ =	shalt  }
0x87: {  	_ =	shalt  }
.Lfunc_end0:
.L_simem_size_0:
called_computation.2_lowered:
.L_overlay_start_0:
0x88: {  	s2 =	sld [smem:$0x3FD9]  }
0x89: {  	s3 =	sld [smem:$0x3FFE];
	_ =	sdelay $0x1  }
0x8a: {  	s1 =	srdreg.scid  }
0x8b: {  	s0 =	sand.u32 $0x1, s1  }
0x8c: {  	s16 =	sshll.u32 s0, $0xA;
	s2 =	sadd.s32 s3, s2  }
0x8d: {  	s2 =	sadd.s32 s2, s16  }
0x8e: {  	[smem:$0x3FC6] =	sst s2  }
0x8f: {  	_ = 	snop  }
0x90: {  	(tm) =	ssettm $0x1  }
0x91: {  	s17 =	sld [smem:$0x3FFB];
	_ =	sdelay $0x3  }
0x92: {  	_ =	strace s17  }
0x93: {  	s2 =	sld [smem:$0x3FFC];
	_ =	sdelay $0x3  }
0x94: {  	_ =	strace s2  }
0x95: {  	s2 =	sld [smem:$0x3FFD];
	_ =	sdelay $0x3  }
0x96: {  	_ =	strace s2  }
0x97: {  	_ =	strace $0x8FFFFFFF  }
0x98: {  	s18 =	sld [smem:$0x3FDB];
	_ =	sdelay $0x1  }
0x99: {  	s19 =	simm.s32 $_scs_section_size  }
0x9a: {  	s4 =	simm.s32 $_size__tile_overlayer_lowered;
	s5 =	simm.s32 $_tile_overlayer_lowered  }
0x9b: {  	s22 =	simm.s32 $0x1BFF;
	s21 =	sshll.u32 s5, $0x1;
	s2 =	sadd.s32 s19, s18  }
0x9c: {  	s6 =	simm.s32 $0x0;
	s20 =	sshll.u32 s4, $0x1;
	s4 =	sadd.s32 s21, s2  }
0x9d: {  	[timem:s6], [sflag:s22] =	dma.local [hbm:s4], s20  }
0x9e: {  	_ =	swait.ge [sflag:s22], s20  }
0x9f: {  	s3 =	ssub.s32 $0x0, s20;
	[sflag:s22] =	ssyncset.done $0x0  }
0xa0: {  	[sflag:s22] =	ssyncadd.s32 s3;
	_ =	sdelay $0x1  }
0xa1: {  	s23 =	simm.s32 $0x1B8B  }
0xa2: {  	_ =	swait.ge [sflag:s23], $0x1  }
0xa3: {  	[sflag:s23] =	ssyncset.done $0x0  }
0xa4: {  	s25 =	simm.s32 $0x1B8E;
	s24 =	sld [smem:$0x3FFE];
	[sflag:s23] =	ssyncadd.s32 $0xFFFFFFFF  }
0xa5: {  	s26 =	simm.s32 $execute0_lowered;
	[smem:$0x3FD2] =	sst s25  }
0xa6: {  	s4 =	sshll.u32 s26, $0x1;
	_ =	strace $0x8000004C;
	[dreg:$0x1] =	wrdreg $0xFFFFFFFF  }
0xa7: {  	s28 =	simm.s32 $_size_execute0_lowered;
	s2 =	sadd.s32 s2, s4;
	[dreg:$0x0] =	wrdreg $0x0  }
0xa8: {  	s4 =	sshll.u32 s28, $0x1;
	[dreg:$0x2] =	wrdreg s2  }
0xa9: {  	[dreg:$0x3] =	wrdreg s4  }
0xaa: {  	[dreg:$0x4] =	wrdreg $0xC0  }
0xab: {  	_ =	task [dreg:s6], $0x5FFFF  }
0xac: {  	[dreg:$0x1] =	wrdreg $0xFFFFFFFF  }
0xad: {  	[dreg:$0x0] =	wrdreg $0x60  }
0xae: {  	[dreg:$0x2] =	wrdreg s24  }
0xaf: {  	[dreg:$0x3] =	wrdreg $0x9  }
0xb0: {  	_ =	task.clear_ibuf [dreg:s6], $0x4FFFF;
	_ =	strace $0x9000004C  }
0xb1: {  	s29 =	simm.s32 $0x9;
	_ =	strace $0x8000004E  }
0xb2: {  	_ =	swait.ge [sflag:s29], $0x1  }
0xb3: {  	[sflag:s29] =	ssyncadd.s32 $0xFFFFFFFF  }
0xb4: {  	_ =	strace $0x9000004E  }
0xb5: {  	_ =	sfence  }
0xb6: {  	s30 =	sld [smem:$0x0];
	_ =	sdelay $0x2  }
0xb7: {  	s31 =	sshll.u32 s1, $0xD;
	s1 =	sshrl.u32 s1, $0x2  }
0xb8: {  	s3 =	sand.u32 $0x4000, s31;
	s1 =	sadd.s32 s1, s30  }
0xb9: {  	s0 =	sor.u32 s3, s0;
	s1 =	sshll.u32 s1, $0x11  }
0xba: {  	s0 =	sor.u32 s1, s0  }
0xbb: {  	s0 =	sadd.s32 $0x8F2B, s0  }
0xbc: {  	[sflag:s0] =	ssyncadd.remote.s32 $0x1  }
0xbd: {  	_ =	sfence.sel $0xFFFF  }
0xbe: {  	[dreg:$0x0] =	wrdreg $0xFFFFFFFF;
	(pc) =	sbr.abs _section_cstart, $3  }
0xbf: {  	[dreg:$0x1] =	wrdreg $0xFFFFFFFF  }
0xc0: {  	_ =	task.clear_ibuf [dreg:s6], $0x2FFFF;
	_ =	strace $0x9FFFFFFF  }
0xc1: {  	(tm) =	ssettm $0x7FFFFFFF  }
tec
execute0_lowered:
.L_overlay_start_1:
0x0: {  	(tag) =	ssettag $0x1  }
0x1: {  	s1 =	srdreg.scid;
	s0 =	stileid.u32  }
0x2: {  	s10 =	sand.u32 $0x1, s1;
	s28 =	sshll.u32 s0, $0x1  }
0x3: {  	s11 =	sor.u32 s10, s28  }
0x4: {  	s9 =	rddreg [dreg:$0x0];
	s3 =	smul.u32 $0xA0, s11  }
0x5: {  	s2 =	simm.s32 $0x0;
	s1 =	rddreg [dreg:$0x1]  }
0x6: {  	[smem:$0x7FF] =	sst s2;
	s3 =	sadd.s32 s3, s9  }
0x7: {  	_ =	strace $0x8000004D;
	s4 =	sadd.s32 $0x37000, s3;
	s3 =	simm.s32 $0x2  }
0x8: {  	[tilespmem:s2], [sflag:$0x2] =	stream.linear.gather [hbm4b:s4+s2], $0x500, $0x38;
	[tilespmem:$0x14500] =	vst v63  }
0x9: {  	_ =	swait.ge [sflag:s3], $0x500  }
0xa: {  	s6 =	simm.s32 $0x280;
	s7 =	simm.s32 $0x500;
	[sflag:s3] =	ssyncset.done $0x0  }
0xb: {  	s8 =	simm.s32 $0x1;
	s5 =	sadd.s32 $0x2000, s9;
	[sflag:s3] =	ssyncadd.s32 $0xFFFFFB00  }
0xc: {  	[tilespmem:s7], [sflag:$0x1] =	stream.indirect.gather [hbm4b:s5+s6], $0x80, s2, s6, $0xb8;
	[tilespmem:$0x14500] =	vst v63  }
0xd: {  	s12 =	smul.u32 $0x5000, s11;
	_ =	swait.ge [sflag:s8], $0x14000  }
0xe: {  	s13 =	sadd.s32 $0x38400, s9;
	[sflag:s8] =	ssyncset.done $0x0  }
0xf: {  	s10 =	ssub.s32 $0x2, s10;
	s9 =	sadd.s32 s13, s12;
	[sflag:s8] =	ssyncadd.s32 $0xFFFEC000  }
0x10: {  	[hbm4b:s9+s2] =	stream.linear.scatter [tilespmem:s7], [sflag:$0x2], $0x14000, $0x38;
	[tilespmem:$0x14500] =	vst v63  }
0x11: {  	s29 =	sshrl.u32 s10, $0x1;
	_ =	swait.ge [sflag:s3], $0x14000  }
0x12: {  	s12 =	ssub.s32 s10, s29;
	[sflag:s3] =	ssyncset.done $0x0  }
0x13: {  	s11 =	smul.u32 $0x28000, s11;
	s31 =	smax.u32 s12, $0x1;
	[sflag:s3] =	ssyncadd.s32 $0xFFFEC000  }
0x14: {  	[tilespmem:s7], [sflag:$0x1] =	stream.indirect.gather [hbm4b:s5+s6], $0x80, s6, s6, $0xb8;
	[tilespmem:$0x14500] =	vst v63  }
0x15: {  	s11 =	sshrl.u32 s11, $0x3;
	p0 =	sne.s32 s31, $0x1;
	_ =	swait.ge [sflag:s8], $0x14000  }
.Ltmp0:
0x16: {  	s30 =	sadd.s32 s13, s11;
	[sflag:s8] =	ssyncset.done $0x0;
	(pc) =	sbr.rel @!p0 .LBB2_2-.Ltmp0, $4  }
0x17: {  	s10 =	sadd.s32 $0x2800, s30;
	[sflag:s8] =	ssyncadd.s32 $0xFFFEC000  }
0x18: {  	[hbm4b:s10+s2] =	stream.linear.scatter [tilespmem:s7], [sflag:$0x2], $0x14000, $0x38;
	[tilespmem:$0x14500] =	vst v63  }
0x19: {  	_ =	swait.ge [sflag:s3], $0x14000  }
0x1a: {  	s11 =	sadd.s32 $0xFFFFFFFF, s31;
	[sflag:s3] =	ssyncset.done $0x0  }
.LBB2_1:
0x1b: {  	p0 =	sne.s32 s11, $0x1;
	s11 =	sadd.s32 $0xFFFFFFFF, s11;
	[sflag:s3] =	ssyncadd.s32 $0xFFFEC000  }
0x1c: {  	[tilespmem:s2], [sflag:$0x2] =	stream.linear.gather [hbm4b:s4+s2], $0x500, $0x38;
	[tilespmem:$0x14500] =	vst v63  }
0x1d: {  	_ =	swait.ge [sflag:s3], $0x500  }
0x1e: {  	[sflag:s3] =	ssyncset.done $0x0  }
0x1f: {  	[sflag:s3] =	ssyncadd.s32 $0xFFFFFB00  }
0x20: {  	[tilespmem:s7], [sflag:$0x1] =	stream.indirect.gather [hbm4b:s5+s6], $0x80, s2, s6, $0xb8;
	[tilespmem:$0x14500] =	vst v63  }
0x21: {  	_ =	swait.ge [sflag:s8], $0x14000  }
0x22: {  	[sflag:s8] =	ssyncset.done $0x0  }
0x23: {  	[sflag:s8] =	ssyncadd.s32 $0xFFFEC000  }
0x24: {  	[hbm4b:s9+s2] =	stream.linear.scatter [tilespmem:s7], [sflag:$0x2], $0x14000, $0x38;
	[tilespmem:$0x14500] =	vst v63  }
0x25: {  	_ =	swait.ge [sflag:s3], $0x14000  }
0x26: {  	[sflag:s3] =	ssyncset.done $0x0  }
0x27: {  	[sflag:s3] =	ssyncadd.s32 $0xFFFEC000  }
0x28: {  	[tilespmem:s7], [sflag:$0x1] =	stream.indirect.gather [hbm4b:s5+s6], $0x80, s6, s6, $0xb8;
	[tilespmem:$0x14500] =	vst v63  }
0x29: {  	_ =	swait.ge [sflag:s8], $0x14000  }
.Ltmp1:
0x2a: {  	[sflag:s8] =	ssyncset.done $0x0;
	(pc) =	sbr.rel @p0 .LBB2_1-.Ltmp1, $4  }
0x2b: {  	[sflag:s8] =	ssyncadd.s32 $0xFFFEC000  }
0x2c: {  	[hbm4b:s10+s2] =	stream.linear.scatter [tilespmem:s7], [sflag:$0x2], $0x14000, $0x38;
	[tilespmem:$0x14500] =	vst v63  }
0x2d: {  	_ =	swait.ge [sflag:s3], $0x14000  }
0x2e: {  	[sflag:s3] =	ssyncset.done $0x0  }
.LBB2_2:
0x2f: {  	[sflag:s3] =	ssyncadd.s32 $0xFFFEC000  }
0x30: {  	_ =	sfence.sel $0x180000  }
0x31: {  	[bflag:$0x0] =	sbarrier.arrive $0xFFFF  }
0x32: {  	p0 =	sne.s32 s0, $0x0;
	_ =	strace $0x9000004D  }
0x33: {  	s0 =	sadd.s32 @!p0 $0x100000, s1;
	[bflag:$0x2] =	sbarrier.arrive $0xFFFF  }
0x34: {  	[sflag:s0] =	ssyncadd.tile.s32 @!p0 $0x1;
	_ =	shalt  }
.Lfunc_end2:
_tile_overlayer_lowered:
.L_overlay_start_2:
0x35: {  	(tag) =	ssettag $0x2  }
0x36: {  	s0 =	rddreg [dreg:$0x0];
	s2 =	stileid.u32  }
0x37: {  	s1 =	rddreg [dreg:$0x1];
	p0 =	sne.s32 s2, $0x0  }
0x38: {  	s3 =	rddreg [dreg:$0x2];
	[bflag:$0x3] =	sbarrier.arrive $0xFFFF;
	s2 =	simm.s32 @!p0 $0x1C02  }
0x39: {  	[timem:s3], [sflag:s2] =	dma.local @!p0 [hbm:s0], s1  }
0x3a: {  	s0 =	simm.s32 @!p0 $0x2  }
0x3b: {  	_ =	swait.ge @!p0 [sflag:s0], s1  }
0x3c: {  	s1 =	ssub.s32 @!p0 $0x0, s1;
	[sflag:s0] =	ssyncset.done @!p0 $0x0  }
0x3d: {  	[sflag:s0] =	ssyncadd.s32 @!p0 s1  }
0x3e: {  	[bflag:$0x3] =	sbarrier.arrive $0xFFFF  }
0x3f: {  	_ =	shalt  }

</sc_bundles>
